<compile_context>
chip_gen: v7x
topology: tpu7x:2x2x1
jax: 0.10.2.dev20260603
libtpu: 0.0.44.dev20260713+nightly
codegen_flags: <defaults>
</compile_context>

<pallas_src>
import functools

import jax
import jax.numpy as jnp
import numpy as np
from jax import lax
from jax.experimental import pallas as pl
from jax.experimental.pallas import tpu as pltpu

S, D = 2048, 1024
NH, NKV, HD = 16, 4, 64
E, TOPK, HID = 8, 2, 1024
EPS = 1e-5
NEG = -1e30

BQ1 = 512
BQA = 512
BKA = 512
BP3 = 256
BKM = 128
PCAP = 2 * S + E * BKM
NBLK = PCAP // BKM
HC = 512
NHC = HID // HC

_INV = 1.0 / (10000.0 ** (np.arange(0, HD, 2).astype(np.float64) / HD))
_FC = np.exp(1j * np.outer(np.arange(S), _INV)).astype(np.complex64)
_COS_NP = np.real(_FC)
_SIN_NP = np.imag(_FC)

_CQ_NP = np.tile(_COS_NP, (1, 2 * NH))
_SQ_NP = np.tile(_SIN_NP, (1, 2 * NH))
_CK_NP = np.tile(_COS_NP, (1, 2 * NKV))
_SK_NP = np.tile(_SIN_NP, (1, 2 * NKV))

def _perm_mat(nheads):
    g = np.arange(nheads * 32)
    perm = np.concatenate([64 * (g // 32) + 2 * (g % 32),
                           64 * (g // 32) + 2 * (g % 32) + 1])
    m = np.zeros((nheads * HD, nheads * HD), np.float32)
    m[perm, np.arange(nheads * HD)] = 1.0
    return m, perm

_PQ_NP, _PERM_Q = _perm_mat(NH)
_PK_NP, _PERM_K = _perm_mat(NKV)


def _pre_attn_body(x_ref, an_ref, wq_ref, wk_ref, wv_ref, qn_ref, kn_ref,
                   cq_ref, sq_ref, ck_ref, sk_ref, q_ref, k_ref, v_ref):
    xb = x_ref[...]
    nx = jnp.mean(xb * xb, axis=-1, keepdims=True)
    h_in = an_ref[...] * (xb * lax.rsqrt(nx + EPS))
    q = jnp.dot(h_in, wq_ref[...], preferred_element_type=jnp.float32)
    k = jnp.dot(h_in, wk_ref[...], preferred_element_type=jnp.float32)
    v = jnp.dot(h_in, wv_ref[...], preferred_element_type=jnp.float32)
    cq = lax.broadcasted_iota(jnp.int32, (NH * HD, NH), 0)
    hq = lax.broadcasted_iota(jnp.int32, (NH * HD, NH), 1)
    mq = ((cq % (NH * 32)) // 32 == hq).astype(jnp.float32)
    ssq = jnp.dot(q * q, mq, preferred_element_type=jnp.float32)
    invq = lax.rsqrt(ssq * (1.0 / HD) + EPS)
    mqt = ((lax.broadcasted_iota(jnp.int32, (NH, NH * HD), 1) % (NH * 32)) // 32
           == lax.broadcasted_iota(jnp.int32, (NH, NH * HD), 0)).astype(jnp.float32)
    q = q * jnp.dot(invq, mqt, preferred_element_type=jnp.float32) * qn_ref[...]
    ck_i = lax.broadcasted_iota(jnp.int32, (NKV * HD, NKV), 0)
    hk = lax.broadcasted_iota(jnp.int32, (NKV * HD, NKV), 1)
    mk = ((ck_i % (NKV * 32)) // 32 == hk).astype(jnp.float32)
    ssk = jnp.dot(k * k, mk, preferred_element_type=jnp.float32)
    invk = lax.rsqrt(ssk * (1.0 / HD) + EPS)
    mkt = ((lax.broadcasted_iota(jnp.int32, (NKV, NKV * HD), 1) % (NKV * 32)) // 32
           == lax.broadcasted_iota(jnp.int32, (NKV, NKV * HD), 0)).astype(jnp.float32)
    k = k * jnp.dot(invk, mkt, preferred_element_type=jnp.float32) * kn_ref[...]
    HQ = NH * 32
    qrot = jnp.concatenate([-q[:, HQ:], q[:, :HQ]], axis=1)
    q = q * cq_ref[...] + qrot * sq_ref[...]
    HK = NKV * 32
    krot = jnp.concatenate([-k[:, HK:], k[:, :HK]], axis=1)
    k = k * ck_ref[...] + krot * sk_ref[...]
    q_ref[...] = q
    k_ref[...] = k
    v_ref[...] = v


def _flash_body(q_ref, k_ref, v_ref, o_ref):
    i = pl.program_id(0)
    q = q_ref[...] * (1.0 / 8.0)
    HQ, HK = NH * 32, NKV * 32
    qh = [jnp.concatenate([q[:, 32 * h:32 * h + 32],
                           q[:, HQ + 32 * h:HQ + 32 * h + 32]], axis=1)
          for h in range(NH)]
    def body(j, carry, masked):
        ls, accs = carry
        kblk = k_ref[pl.ds(j * BKA, BKA), :]
        vblk = v_ref[pl.ds(j * BKA, BKA), :]
        if masked:
            rg = lax.broadcasted_iota(jnp.int32, (BQA, BKA), 0)
            cg = lax.broadcasted_iota(jnp.int32, (BQA, BKA), 1)
            causal = cg <= rg
        new_ls, new_accs = [], []
        for g in range(NKV):
            kb = jnp.concatenate([kblk[:, 32 * g:32 * g + 32],
                                  kblk[:, HK + 32 * g:HK + 32 * g + 32]],
                                 axis=1)
            vb = vblk[:, HD * g:HD * g + HD]
            for t in range(4):
                h = 4 * g + t
                s = lax.dot_general(qh[h], kb, (((1,), (1,)), ((), ())),
                                    preferred_element_type=jnp.float32)
                p = jnp.exp(s)
                if masked:
                    p = jnp.where(causal, p, 0.0)
                new_ls.append(ls[h] + jnp.sum(p, axis=1, keepdims=True))
                new_accs.append(accs[h] +
                                jnp.dot(p, vb,
                                        preferred_element_type=jnp.float32))
        return new_ls, new_accs

    l0 = tuple(jnp.zeros((BQA, 1), jnp.float32) for _ in range(NH))
    a0 = tuple(jnp.zeros((BQA, HD), jnp.float32) for _ in range(NH))
    ls, accs = lax.fori_loop(
        0, i, lambda j, c: tuple(map(tuple, body(j, c, False))), (l0, a0))
    ls, accs = body(i, (ls, accs), True)
    o_ref[...] = jnp.concatenate([accs[h] / ls[h] for h in range(NH)], axis=1)


def _post_attn_body(a_ref, x_ref, wo_ref, fn_ref, gw_ref,
                    h_ref, hx_ref, wd_ref, oh_ref, pos_ref, cnt_ref, c_ref):
    h = x_ref[...] + jnp.dot(a_ref[...], wo_ref[...],
                             preferred_element_type=jnp.float32)
    nx = jnp.mean(h * h, axis=-1, keepdims=True)
    hx = fn_ref[...] * (h * lax.rsqrt(nx + EPS))
    h_ref[...] = h
    hx_ref[...] = hx
    logits = jnp.dot(hx, gw_ref[...], preferred_element_type=jnp.float32)
    ecol = lax.broadcasted_iota(jnp.int32, (BP3, 128), 1)
    valid = ecol < E
    logits = jnp.where(valid, logits, NEG)
    mx = jnp.max(logits, axis=1, keepdims=True)
    ex = jnp.where(valid, jnp.exp(logits - mx), 0.0)
    rw = ex / jnp.sum(ex, axis=1, keepdims=True)
    m1 = jnp.max(rw, axis=1, keepdims=True)
    i1 = jnp.min(jnp.where(rw == m1, ecol, 999), axis=1, keepdims=True)
    sel1 = ecol == i1
    rw2 = jnp.where(sel1, -1.0, rw)
    m2 = jnp.max(rw2, axis=1, keepdims=True)
    i2 = jnp.min(jnp.where(rw2 == m2, ecol, 999), axis=1, keepdims=True)
    sel2 = ecol == i2
    tot = m1 + m2
    wd = jnp.where(sel1, m1 / tot, 0.0) + jnp.where(sel2, m2 / tot, 0.0)
    wd_ref[...] = wd[:, :E]
    oh = (sel1 | sel2)[:, :E].astype(jnp.float32)
    oh_ref[...] = oh

    @pl.when(pl.program_id(0) == 0)
    def _():
        c_ref[...] = jnp.zeros((1, E), jnp.float32)

    ltri = (lax.broadcasted_iota(jnp.int32, (BP3, BP3), 1)
            < lax.broadcasted_iota(jnp.int32, (BP3, BP3), 0)).astype(jnp.float32)
    pos_ref[...] = c_ref[...] + jnp.dot(ltri, oh,
                                        preferred_element_type=jnp.float32)
    cnew = c_ref[...] + jnp.sum(oh, axis=0, keepdims=True)
    c_ref[...] = cnew
    cnt_ref[...] = cnew


def _moe_ffn_body(be_ref, x_ref, ws_ref, w1_ref, w3_ref, w2_ref, o_ref):
    xb = x_ref[...]
    h1 = jnp.dot(xb, w1_ref[0], preferred_element_type=jnp.float32)
    h3 = jnp.dot(xb, w3_ref[0], preferred_element_type=jnp.float32)
    g = h1 * (1.0 / (1.0 + jnp.exp(-h1))) * h3
    val = jnp.dot(g, w2_ref[0], preferred_element_type=jnp.float32)
    o_ref[...] = val * ws_ref[...]


def _shared_ffn_body(h_ref, hx_ref, moe_ref, w1_ref, w3_ref, w2_ref, o_ref):
    xb = hx_ref[...]
    h1 = jnp.dot(xb, w1_ref[...], preferred_element_type=jnp.float32)
    h3 = jnp.dot(xb, w3_ref[...], preferred_element_type=jnp.float32)
    g = h1 * (1.0 / (1.0 + jnp.exp(-h1))) * h3
    val = jnp.dot(g, w2_ref[...], preferred_element_type=jnp.float32)
    o_ref[...] = val + h_ref[...] + moe_ref[...]


def kernel(x, wq, wk, wv, wo, q_norm_w, k_norm_w, attn_norm_w, ffn_norm_w,
           gate_w, we1, we3, we2, ws1, ws3, ws2, freqs_cis):
    f32 = jnp.float32
    x2 = x.reshape(S, D)

    wq_p = jnp.dot(wq, jnp.asarray(_PQ_NP))
    wk_p = jnp.dot(wk, jnp.asarray(_PK_NP))
    qn_t = q_norm_w[_PERM_Q % HD][None, :]
    kn_t = k_norm_w[_PERM_K % HD][None, :]
    del freqs_cis
    cq = jnp.asarray(_CQ_NP, f32)
    sq = jnp.asarray(_SQ_NP, f32)
    ck = jnp.asarray(_CK_NP, f32)
    sk = jnp.asarray(_SK_NP, f32)
    an_t = attn_norm_w[None, :]
    fn_t = ffn_norm_w[None, :]
    gw_pad = jnp.pad(gate_w, ((0, 0), (0, 128 - E)))

    q_hl, k_hl, v_sd = pl.pallas_call(
        _pre_attn_body,
        grid=(S // BQ1,),
        in_specs=[
            pl.BlockSpec((BQ1, D), lambda i: (i, 0)),
            pl.BlockSpec((1, D), lambda i: (0, 0)),
            pl.BlockSpec((D, NH * HD), lambda i: (0, 0)),
            pl.BlockSpec((D, NKV * HD), lambda i: (0, 0)),
            pl.BlockSpec((D, NKV * HD), lambda i: (0, 0)),
            pl.BlockSpec((1, NH * HD), lambda i: (0, 0)),
            pl.BlockSpec((1, NKV * HD), lambda i: (0, 0)),
            pl.BlockSpec((BQ1, NH * HD), lambda i: (i, 0)),
            pl.BlockSpec((BQ1, NH * HD), lambda i: (i, 0)),
            pl.BlockSpec((BQ1, NKV * HD), lambda i: (i, 0)),
            pl.BlockSpec((BQ1, NKV * HD), lambda i: (i, 0)),
        ],
        out_specs=[
            pl.BlockSpec((BQ1, NH * HD), lambda i: (i, 0)),
            pl.BlockSpec((BQ1, NKV * HD), lambda i: (i, 0)),
            pl.BlockSpec((BQ1, NKV * HD), lambda i: (i, 0)),
        ],
        out_shape=[
            jax.ShapeDtypeStruct((S, NH * HD), f32),
            jax.ShapeDtypeStruct((S, NKV * HD), f32),
            jax.ShapeDtypeStruct((S, NKV * HD), f32),
        ],
    )(x2, an_t, wq_p, wk_p, wv, qn_t, kn_t, cq, sq, ck, sk)

    attn = pl.pallas_call(
        _flash_body,
        grid=(S // BQA,),
        in_specs=[
            pl.BlockSpec((BQA, NH * HD), lambda i: (i, 0)),
            pl.BlockSpec((S, NKV * HD), lambda i: (0, 0)),
            pl.BlockSpec((S, NKV * HD), lambda i: (0, 0)),
        ],
        out_specs=pl.BlockSpec((BQA, NH * HD), lambda i: (i, 0)),
        out_shape=jax.ShapeDtypeStruct((S, NH * HD), f32),
    )(q_hl, k_hl, v_sd)

    h, hx, wdense, ohf, pos, counts2 = pl.pallas_call(
        _post_attn_body,
        grid=(S // BP3,),
        in_specs=[
            pl.BlockSpec((BP3, D), lambda i: (i, 0)),
            pl.BlockSpec((BP3, D), lambda i: (i, 0)),
            pl.BlockSpec((D, D), lambda i: (0, 0)),
            pl.BlockSpec((1, D), lambda i: (0, 0)),
            pl.BlockSpec((D, 128), lambda i: (0, 0)),
        ],
        out_specs=[
            pl.BlockSpec((BP3, D), lambda i: (i, 0)),
            pl.BlockSpec((BP3, D), lambda i: (i, 0)),
            pl.BlockSpec((BP3, E), lambda i: (i, 0)),
            pl.BlockSpec((BP3, E), lambda i: (i, 0)),
            pl.BlockSpec((BP3, E), lambda i: (i, 0)),
            pl.BlockSpec((1, E), lambda i: (0, 0)),
        ],
        out_shape=[
            jax.ShapeDtypeStruct((S, D), f32),
            jax.ShapeDtypeStruct((S, D), f32),
            jax.ShapeDtypeStruct((S, E), f32),
            jax.ShapeDtypeStruct((S, E), f32),
            jax.ShapeDtypeStruct((S, E), f32),
            jax.ShapeDtypeStruct((1, E), f32),
        ],
        scratch_shapes=[pltpu.VMEM((1, E), jnp.float32)],
    )(attn, x2, wo, fn_t, gw_pad)

    counts = counts2[0]
    cpad = jnp.ceil(counts / BKM) * BKM
    offs = jnp.concatenate([jnp.zeros((1,), f32), jnp.cumsum(cpad)[:-1]])
    ppos = (offs[None, :] + pos).astype(jnp.int32)
    eidx = jnp.arange(E, dtype=jnp.int32)[None, :]
    ohb = ohf > 0.5
    plo = jnp.min(jnp.where(ohb, ppos, PCAP), axis=1)
    phi = jnp.max(jnp.where(ohb, ppos, -1), axis=1)
    elo = jnp.min(jnp.where(ohb, eidx, 99), axis=1)
    wlo = jnp.sum(jnp.where(eidx == elo[:, None], wdense, 0.0), axis=1)
    whi = jnp.sum(jnp.where((eidx != elo[:, None]) & ohb, wdense, 0.0), axis=1)
    tokf = jnp.arange(S, dtype=f32)
    pidx = jnp.concatenate([plo, phi])
    payload = jnp.concatenate(
        [jnp.stack([tokf, wlo], axis=1), jnp.stack([tokf, whi], axis=1)], axis=0)
    sw = jnp.zeros((PCAP, 2), f32).at[pidx].set(payload)
    src = sw[:, 0].astype(jnp.int32)
    wsort1 = sw[:, 1:2]
    ends = (offs + cpad).astype(jnp.int32)
    bidx = jnp.arange(NBLK, dtype=jnp.int32) * BKM
    block_expert = jnp.clip(jnp.sum((bidx[:, None] >= ends[None, :]).astype(
        jnp.int32), axis=1), 0, E - 1)

    x_sorted = jnp.take(hx, src, axis=0)

    eo = pl.pallas_call(
        _moe_ffn_body,
        grid_spec=pltpu.PrefetchScalarGridSpec(
            num_scalar_prefetch=1,
            grid=(NBLK,),
            in_specs=[
                pl.BlockSpec((BKM, D), lambda b, be: (b, 0)),
                pl.BlockSpec((BKM, 1), lambda b, be: (b, 0)),
                pl.BlockSpec((1, D, HID), lambda b, be: (be[b], 0, 0)),
                pl.BlockSpec((1, D, HID), lambda b, be: (be[b], 0, 0)),
                pl.BlockSpec((1, HID, D), lambda b, be: (be[b], 0, 0)),
            ],
            out_specs=pl.BlockSpec((BKM, D), lambda b, be: (b, 0)),
        ),
        out_shape=jax.ShapeDtypeStruct((PCAP, D), f32),
    )(block_expert, x_sorted, wsort1, we1, we3, we2)

    moe = jnp.take(eo, plo, axis=0) + jnp.take(eo, phi, axis=0)

    out = pl.pallas_call(
        _shared_ffn_body,
        grid=(S // BP3,),
        in_specs=[
            pl.BlockSpec((BP3, D), lambda i: (i, 0)),
            pl.BlockSpec((BP3, D), lambda i: (i, 0)),
            pl.BlockSpec((BP3, D), lambda i: (i, 0)),
            pl.BlockSpec((D, HID), lambda i: (0, 0)),
            pl.BlockSpec((D, HID), lambda i: (0, 0)),
            pl.BlockSpec((HID, D), lambda i: (0, 0)),
        ],
        out_specs=pl.BlockSpec((BP3, D), lambda i: (i, 0)),
        out_shape=jax.ShapeDtypeStruct((S, D), f32),
    )(h, hx, moe, ws1, ws3, ws2)

    return out.reshape(1, S, D)

# --- scband reference (transcript-rebuilt; emitter-appended) ---
"""Pipeline reference for scband-transformer-block-37383395344889 (READ-ONLY COPY).

The authoritative reference and input builder live on the scoring server;
editing this copy changes nothing except your own understanding.
"""

import jax, jax.numpy as jnp
import numpy as np

B, S, DIM = 1, 2048, 1024
NH, NKV, HD = 16, 4, 64
NREP = NH // NKV
E, TOPK, HID = 8, 2, 1024
EPS = 1e-5


def rmsnorm(x, w):
    nx = jnp.mean(x * x, axis=-1, keepdims=True)
    return w * (x * jax.lax.rsqrt(nx + EPS))


def apply_rotary(xq, xk, freqs_cis):
    def toc(t):
        tr = t.reshape(t.shape[:-1] + (-1, 2))
        return jax.lax.complex(tr[..., 0], tr[..., 1])
    qc = toc(xq)
    kc = toc(xk)
    f = freqs_cis[None, :, None, :]
    def tor(tc, shape):
        return jnp.stack([jnp.real(tc), jnp.imag(tc)], axis=-1).reshape(shape)
    return tor(qc * f, xq.shape), tor(kc * f, xk.shape)


def block_forward(x, wq, wk, wv, wo, qn, kn, an, fn, gw, we1, we3, we2, ws1, ws3, ws2, freqs_cis):
    h_in = rmsnorm(x, an)
    xq = (h_in @ wq).reshape(B, S, NH, HD)
    xk = (h_in @ wk).reshape(B, S, NKV, HD)
    xv = (h_in @ wv).reshape(B, S, NKV, HD)
    xq = rmsnorm(xq, qn)
    xk = rmsnorm(xk, kn)
    xq, xk = apply_rotary(xq, xk, freqs_cis)
    xk = jnp.repeat(xk, NREP, axis=2)
    xv = jnp.repeat(xv, NREP, axis=2)
    q = xq.transpose(0, 2, 1, 3)
    k = xk.transpose(0, 2, 1, 3)
    v = xv.transpose(0, 2, 1, 3)
    scores = jnp.einsum('bhqd,bhkd->bhqk', q, k) / jnp.sqrt(jnp.float32(HD))
    mask = jnp.tril(jnp.ones((S, S), dtype=bool))
    scores = jnp.where(mask[None, None], scores, jnp.finfo(jnp.float32).min)
    probs = jax.nn.softmax(scores, axis=-1)
    attn = jnp.einsum('bhqk,bhkd->bhqd', probs, v)
    attn = attn.transpose(0, 2, 1, 3).reshape(B, S, NH * HD)
    h = x + attn @ wo
    hx = rmsnorm(h, fn).reshape(-1, DIM)
    T = hx.shape[0]
    logits = hx @ gw
    rw = jax.nn.softmax(logits, axis=-1)
    top_w, top_i = jax.lax.top_k(rw, TOPK)
    top_w = top_w / jnp.sum(top_w, axis=-1, keepdims=True)
    wfull = jnp.zeros((T, E), dtype=hx.dtype).at[jnp.arange(T)[:, None], top_i].set(top_w)
    h1 = jnp.einsum('td,edh->teh', hx, we1)
    h3 = jnp.einsum('td,edh->teh', hx, we3)
    eo = jnp.einsum('teh,ehd->ted', jax.nn.silu(h1) * h3, we2)
    moe = jnp.einsum('ted,te->td', eo, wfull)
    shared = (jax.nn.silu(hx @ ws1) * (hx @ ws3)) @ ws2
    return h + (moe + shared).reshape(B, S, DIM)


def setup_inputs(seed: int = 0):
    key = jax.random.key(seed)
    ks = jax.random.split(key, 13)
    def p(k, shape, s=0.02):
        return jax.random.normal(k, shape, dtype=jnp.float32) * s
    x = jax.random.normal(ks[0], (B, S, DIM), dtype=jnp.float32)
    wq = p(ks[1], (DIM, NH * HD))
    wk = p(ks[2], (DIM, NKV * HD))
    wv = p(ks[3], (DIM, NKV * HD))
    wo = p(ks[4], (NH * HD, DIM))
    q_norm_w = jnp.ones((HD,), dtype=jnp.float32)
    k_norm_w = jnp.ones((HD,), dtype=jnp.float32)
    attn_norm_w = jnp.ones((DIM,), dtype=jnp.float32)
    ffn_norm_w = jnp.ones((DIM,), dtype=jnp.float32)
    gate_w = p(ks[5], (DIM, E))
    we1 = p(ks[6], (E, DIM, HID))
    we3 = p(ks[7], (E, DIM, HID))
    we2 = p(ks[8], (E, HID, DIM))
    ws1 = p(ks[9], (DIM, HID))
    ws3 = p(ks[10], (DIM, HID))
    ws2 = p(ks[11], (HID, DIM))
    inv = 1.0 / (10000.0 ** (np.arange(0, HD, 2).astype(np.float64) / HD))
    ang = np.outer(np.arange(S), inv)
    freqs_cis = jnp.asarray(np.exp(1j * ang).astype(np.complex64))
    return dict(x=x, wq=wq, wk=wk, wv=wv, wo=wo, q_norm_w=q_norm_w, k_norm_w=k_norm_w,
                attn_norm_w=attn_norm_w, ffn_norm_w=ffn_norm_w, gate_w=gate_w,
                we1=we1, we3=we3, we2=we2, ws1=ws1, ws3=ws3, ws2=ws2, freqs_cis=freqs_cis)


def reference(x, wq, wk, wv, wo, q_norm_w, k_norm_w, attn_norm_w, ffn_norm_w, gate_w,
              we1, we3, we2, ws1, ws3, ws2, freqs_cis):
    return block_forward(x, wq, wk, wv, wo, q_norm_w, k_norm_w, attn_norm_w, ffn_norm_w,
                         gate_w, we1, we3, we2, ws1, ws3, ws2, freqs_cis)

if __name__ == "__main__":
    import jax
    _d = setup_inputs()
    print(jax.jit(kernel)(*tuple(_d.values())))

</pallas_src>

<mosaic_0001>
module attributes {stable_mosaic.version = 14 : i64} {
  func.func @_flash_body(%arg0: i32, %arg1: memref<512x1024xf32, #tpu.memory_space<vmem>>, %arg2: memref<2048x256xf32, #tpu.memory_space<vmem>>, %arg3: memref<2048x256xf32, #tpu.memory_space<vmem>>, %arg4: memref<512x1024xf32, #tpu.memory_space<vmem>>) attributes {dimension_semantics = [#tpu.dimension_semantics<arbitrary>], iteration_bounds = array<i64: 4>, scalar_prefetch = 0 : i64, scratch_operands = 0 : i64, tpu.core_type = #tpu.core_type<tc>, window_params = [{transform_indices = @transform_0, window_bounds = array<i64: 512, 1024>}, {pipeline_mode = #tpu.pipeline_mode<synchronous>, transform_indices = @transform_1, window_bounds = array<i64: 2048, 256>}, {pipeline_mode = #tpu.pipeline_mode<synchronous>, transform_indices = @transform_2, window_bounds = array<i64: 2048, 256>}, {transform_indices = @transform_3, window_bounds = array<i64: 512, 1024>}]} {
    %get3A = arith.constant 0 : index
    %get3A_0 = arith.constant 0 : index
    %get3A_1 = vector.load %arg1[%get3A, %get3A_0] : memref<512x1024xf32, #tpu.memory_space<vmem>>, vector<512x1024xf32>
    %mul3A = arith.constant 1.250000e-01 : f32
    %mul3A_2 = vector.broadcast %mul3A : f32 to vector<512x1024xf32>
    %mul3A_3 = arith.mulf %get3A_1, %mul3A_2 : vector<512x1024xf32>
    %slice3A = vector.extract_strided_slice %mul3A_3 {offsets = [0, 0], sizes = [512, 32], strides = [1, 1]} : vector<512x1024xf32> to vector<512x32xf32>
    %slice3A_4 = vector.extract_strided_slice %mul3A_3 {offsets = [0, 512], sizes = [512, 32], strides = [1, 1]} : vector<512x1024xf32> to vector<512x32xf32>
    %concatenate3A = tpu.concatenate %slice3A, %slice3A_4 in 1 : vector<512x32xf32>, vector<512x32xf32> -> vector<512x64xf32>
    %slice3A_5 = vector.extract_strided_slice %mul3A_3 {offsets = [0, 32], sizes = [512, 32], strides = [1, 1]} : vector<512x1024xf32> to vector<512x32xf32>
    %slice3A_6 = vector.extract_strided_slice %mul3A_3 {offsets = [0, 544], sizes = [512, 32], strides = [1, 1]} : vector<512x1024xf32> to vector<512x32xf32>
    %concatenate3A_7 = tpu.concatenate %slice3A_5, %slice3A_6 in 1 : vector<512x32xf32>, vector<512x32xf32> -> vector<512x64xf32>
    %slice3A_8 = vector.extract_strided_slice %mul3A_3 {offsets = [0, 64], sizes = [512, 32], strides = [1, 1]} : vector<512x1024xf32> to vector<512x32xf32>
    %slice3A_9 = vector.extract_strided_slice %mul3A_3 {offsets = [0, 576], sizes = [512, 32], strides = [1, 1]} : vector<512x1024xf32> to vector<512x32xf32>
    %concatenate3A_10 = tpu.concatenate %slice3A_8, %slice3A_9 in 1 : vector<512x32xf32>, vector<512x32xf32> -> vector<512x64xf32>
    %slice3A_11 = vector.extract_strided_slice %mul3A_3 {offsets = [0, 96], sizes = [512, 32], strides = [1, 1]} : vector<512x1024xf32> to vector<512x32xf32>
    %slice3A_12 = vector.extract_strided_slice %mul3A_3 {offsets = [0, 608], sizes = [512, 32], strides = [1, 1]} : vector<512x1024xf32> to vector<512x32xf32>
    %concatenate3A_13 = tpu.concatenate %slice3A_11, %slice3A_12 in 1 : vector<512x32xf32>, vector<512x32xf32> -> vector<512x64xf32>
    %slice3A_14 = vector.extract_strided_slice %mul3A_3 {offsets = [0, 128], sizes = [512, 32], strides = [1, 1]} : vector<512x1024xf32> to vector<512x32xf32>
    %slice3A_15 = vector.extract_strided_slice %mul3A_3 {offsets = [0, 640], sizes = [512, 32], strides = [1, 1]} : vector<512x1024xf32> to vector<512x32xf32>
    %concatenate3A_16 = tpu.concatenate %slice3A_14, %slice3A_15 in 1 : vector<512x32xf32>, vector<512x32xf32> -> vector<512x64xf32>
    %slice3A_17 = vector.extract_strided_slice %mul3A_3 {offsets = [0, 160], sizes = [512, 32], strides = [1, 1]} : vector<512x1024xf32> to vector<512x32xf32>
    %slice3A_18 = vector.extract_strided_slice %mul3A_3 {offsets = [0, 672], sizes = [512, 32], strides = [1, 1]} : vector<512x1024xf32> to vector<512x32xf32>
    %concatenate3A_19 = tpu.concatenate %slice3A_17, %slice3A_18 in 1 : vector<512x32xf32>, vector<512x32xf32> -> vector<512x64xf32>
    %slice3A_20 = vector.extract_strided_slice %mul3A_3 {offsets = [0, 192], sizes = [512, 32], strides = [1, 1]} : vector<512x1024xf32> to vector<512x32xf32>
    %slice3A_21 = vector.extract_strided_slice %mul3A_3 {offsets = [0, 704], sizes = [512, 32], strides = [1, 1]} : vector<512x1024xf32> to vector<512x32xf32>
    %concatenate3A_22 = tpu.concatenate %slice3A_20, %slice3A_21 in 1 : vector<512x32xf32>, vector<512x32xf32> -> vector<512x64xf32>
    %slice3A_23 = vector.extract_strided_slice %mul3A_3 {offsets = [0, 224], sizes = [512, 32], strides = [1, 1]} : vector<512x1024xf32> to vector<512x32xf32>
    %slice3A_24 = vector.extract_strided_slice %mul3A_3 {offsets = [0, 736], sizes = [512, 32], strides = [1, 1]} : vector<512x1024xf32> to vector<512x32xf32>
    %concatenate3A_25 = tpu.concatenate %slice3A_23, %slice3A_24 in 1 : vector<512x32xf32>, vector<512x32xf32> -> vector<512x64xf32>
    %slice3A_26 = vector.extract_strided_slice %mul3A_3 {offsets = [0, 256], sizes = [512, 32], strides = [1, 1]} : vector<512x1024xf32> to vector<512x32xf32>
    %slice3A_27 = vector.extract_strided_slice %mul3A_3 {offsets = [0, 768], sizes = [512, 32], strides = [1, 1]} : vector<512x1024xf32> to vector<512x32xf32>
    %concatenate3A_28 = tpu.concatenate %slice3A_26, %slice3A_27 in 1 : vector<512x32xf32>, vector<512x32xf32> -> vector<512x64xf32>
    %slice3A_29 = vector.extract_strided_slice %mul3A_3 {offsets = [0, 288], sizes = [512, 32], strides = [1, 1]} : vector<512x1024xf32> to vector<512x32xf32>
    %slice3A_30 = vector.extract_strided_slice %mul3A_3 {offsets = [0, 800], sizes = [512, 32], strides = [1, 1]} : vector<512x1024xf32> to vector<512x32xf32>
    %concatenate3A_31 = tpu.concatenate %slice3A_29, %slice3A_30 in 1 : vector<512x32xf32>, vector<512x32xf32> -> vector<512x64xf32>
    %slice3A_32 = vector.extract_strided_slice %mul3A_3 {offsets = [0, 320], sizes = [512, 32], strides = [1, 1]} : vector<512x1024xf32> to vector<512x32xf32>
    %slice3A_33 = vector.extract_strided_slice %mul3A_3 {offsets = [0, 832], sizes = [512, 32], strides = [1, 1]} : vector<512x1024xf32> to vector<512x32xf32>
    %concatenate3A_34 = tpu.concatenate %slice3A_32, %slice3A_33 in 1 : vector<512x32xf32>, vector<512x32xf32> -> vector<512x64xf32>
    %slice3A_35 = vector.extract_strided_slice %mul3A_3 {offsets = [0, 352], sizes = [512, 32], strides = [1, 1]} : vector<512x1024xf32> to vector<512x32xf32>
    %slice3A_36 = vector.extract_strided_slice %mul3A_3 {offsets = [0, 864], sizes = [512, 32], strides = [1, 1]} : vector<512x1024xf32> to vector<512x32xf32>
    %concatenate3A_37 = tpu.concatenate %slice3A_35, %slice3A_36 in 1 : vector<512x32xf32>, vector<512x32xf32> -> vector<512x64xf32>
    %slice3A_38 = vector.extract_strided_slice %mul3A_3 {offsets = [0, 384], sizes = [512, 32], strides = [1, 1]} : vector<512x1024xf32> to vector<512x32xf32>
    %slice3A_39 = vector.extract_strided_slice %mul3A_3 {offsets = [0, 896], sizes = [512, 32], strides = [1, 1]} : vector<512x1024xf32> to vector<512x32xf32>
    %concatenate3A_40 = tpu.concatenate %slice3A_38, %slice3A_39 in 1 : vector<512x32xf32>, vector<512x32xf32> -> vector<512x64xf32>
    %slice3A_41 = vector.extract_strided_slice %mul3A_3 {offsets = [0, 416], sizes = [512, 32], strides = [1, 1]} : vector<512x1024xf32> to vector<512x32xf32>
    %slice3A_42 = vector.extract_strided_slice %mul3A_3 {offsets = [0, 928], sizes = [512, 32], strides = [1, 1]} : vector<512x1024xf32> to vector<512x32xf32>
    %concatenate3A_43 = tpu.concatenate %slice3A_41, %slice3A_42 in 1 : vector<512x32xf32>, vector<512x32xf32> -> vector<512x64xf32>
    %slice3A_44 = vector.extract_strided_slice %mul3A_3 {offsets = [0, 448], sizes = [512, 32], strides = [1, 1]} : vector<512x1024xf32> to vector<512x32xf32>
    %slice3A_45 = vector.extract_strided_slice %mul3A_3 {offsets = [0, 960], sizes = [512, 32], strides = [1, 1]} : vector<512x1024xf32> to vector<512x32xf32>
    %concatenate3A_46 = tpu.concatenate %slice3A_44, %slice3A_45 in 1 : vector<512x32xf32>, vector<512x32xf32> -> vector<512x64xf32>
    %slice3A_47 = vector.extract_strided_slice %mul3A_3 {offsets = [0, 480], sizes = [512, 32], strides = [1, 1]} : vector<512x1024xf32> to vector<512x32xf32>
    %slice3A_48 = vector.extract_strided_slice %mul3A_3 {offsets = [0, 992], sizes = [512, 32], strides = [1, 1]} : vector<512x1024xf32> to vector<512x32xf32>
    %concatenate3A_49 = tpu.concatenate %slice3A_47, %slice3A_48 in 1 : vector<512x32xf32>, vector<512x32xf32> -> vector<512x64xf32>
    %broadcast_in_dim3A = arith.constant 0.000000e+00 : f32
    %broadcast_in_dim3A_50 = vector.broadcast %broadcast_in_dim3A : f32 to vector<512x1xf32>
    %broadcast_in_dim3A_51 = arith.constant 0.000000e+00 : f32
    %broadcast_in_dim3A_52 = vector.broadcast %broadcast_in_dim3A_51 : f32 to vector<512x1xf32>
    %broadcast_in_dim3A_53 = arith.constant 0.000000e+00 : f32
    %broadcast_in_dim3A_54 = vector.broadcast %broadcast_in_dim3A_53 : f32 to vector<512x1xf32>
    %broadcast_in_dim3A_55 = arith.constant 0.000000e+00 : f32
    %broadcast_in_dim3A_56 = vector.broadcast %broadcast_in_dim3A_55 : f32 to vector<512x1xf32>
    %broadcast_in_dim3A_57 = arith.constant 0.000000e+00 : f32
    %broadcast_in_dim3A_58 = vector.broadcast %broadcast_in_dim3A_57 : f32 to vector<512x1xf32>
    %broadcast_in_dim3A_59 = arith.constant 0.000000e+00 : f32
    %broadcast_in_dim3A_60 = vector.broadcast %broadcast_in_dim3A_59 : f32 to vector<512x1xf32>
    %broadcast_in_dim3A_61 = arith.constant 0.000000e+00 : f32
    %broadcast_in_dim3A_62 = vector.broadcast %broadcast_in_dim3A_61 : f32 to vector<512x1xf32>
    %broadcast_in_dim3A_63 = arith.constant 0.000000e+00 : f32
    %broadcast_in_dim3A_64 = vector.broadcast %broadcast_in_dim3A_63 : f32 to vector<512x1xf32>
    %broadcast_in_dim3A_65 = arith.constant 0.000000e+00 : f32
    %broadcast_in_dim3A_66 = vector.broadcast %broadcast_in_dim3A_65 : f32 to vector<512x1xf32>
    %broadcast_in_dim3A_67 = arith.constant 0.000000e+00 : f32
    %broadcast_in_dim3A_68 = vector.broadcast %broadcast_in_dim3A_67 : f32 to vector<512x1xf32>
    %broadcast_in_dim3A_69 = arith.constant 0.000000e+00 : f32
    %broadcast_in_dim3A_70 = vector.broadcast %broadcast_in_dim3A_69 : f32 to vector<512x1xf32>
    %broadcast_in_dim3A_71 = arith.constant 0.000000e+00 : f32
    %broadcast_in_dim3A_72 = vector.broadcast %broadcast_in_dim3A_71 : f32 to vector<512x1xf32>
    %broadcast_in_dim3A_73 = arith.constant 0.000000e+00 : f32
    %broadcast_in_dim3A_74 = vector.broadcast %broadcast_in_dim3A_73 : f32 to vector<512x1xf32>
    %broadcast_in_dim3A_75 = arith.constant 0.000000e+00 : f32
    %broadcast_in_dim3A_76 = vector.broadcast %broadcast_in_dim3A_75 : f32 to vector<512x1xf32>
    %broadcast_in_dim3A_77 = arith.constant 0.000000e+00 : f32
    %broadcast_in_dim3A_78 = vector.broadcast %broadcast_in_dim3A_77 : f32 to vector<512x1xf32>
    %broadcast_in_dim3A_79 = arith.constant 0.000000e+00 : f32
    %broadcast_in_dim3A_80 = vector.broadcast %broadcast_in_dim3A_79 : f32 to vector<512x1xf32>
    %broadcast_in_dim3A_81 = arith.constant 0.000000e+00 : f32
    %broadcast_in_dim3A_82 = vector.broadcast %broadcast_in_dim3A_81 : f32 to vector<512x64xf32>
    %broadcast_in_dim3A_83 = arith.constant 0.000000e+00 : f32
    %broadcast_in_dim3A_84 = vector.broadcast %broadcast_in_dim3A_83 : f32 to vector<512x64xf32>
    %broadcast_in_dim3A_85 = arith.constant 0.000000e+00 : f32
    %broadcast_in_dim3A_86 = vector.broadcast %broadcast_in_dim3A_85 : f32 to vector<512x64xf32>
    %broadcast_in_dim3A_87 = arith.constant 0.000000e+00 : f32
    %broadcast_in_dim3A_88 = vector.broadcast %broadcast_in_dim3A_87 : f32 to vector<512x64xf32>
    %broadcast_in_dim3A_89 = arith.constant 0.000000e+00 : f32
    %broadcast_in_dim3A_90 = vector.broadcast %broadcast_in_dim3A_89 : f32 to vector<512x64xf32>
    %broadcast_in_dim3A_91 = arith.constant 0.000000e+00 : f32
    %broadcast_in_dim3A_92 = vector.broadcast %broadcast_in_dim3A_91 : f32 to vector<512x64xf32>
    %broadcast_in_dim3A_93 = arith.constant 0.000000e+00 : f32
    %broadcast_in_dim3A_94 = vector.broadcast %broadcast_in_dim3A_93 : f32 to vector<512x64xf32>
    %broadcast_in_dim3A_95 = arith.constant 0.000000e+00 : f32
    %broadcast_in_dim3A_96 = vector.broadcast %broadcast_in_dim3A_95 : f32 to vector<512x64xf32>
    %broadcast_in_dim3A_97 = arith.constant 0.000000e+00 : f32
    %broadcast_in_dim3A_98 = vector.broadcast %broadcast_in_dim3A_97 : f32 to vector<512x64xf32>
    %broadcast_in_dim3A_99 = arith.constant 0.000000e+00 : f32
    %broadcast_in_dim3A_100 = vector.broadcast %broadcast_in_dim3A_99 : f32 to vector<512x64xf32>
    %broadcast_in_dim3A_101 = arith.constant 0.000000e+00 : f32
    %broadcast_in_dim3A_102 = vector.broadcast %broadcast_in_dim3A_101 : f32 to vector<512x64xf32>
    %broadcast_in_dim3A_103 = arith.constant 0.000000e+00 : f32
    %broadcast_in_dim3A_104 = vector.broadcast %broadcast_in_dim3A_103 : f32 to vector<512x64xf32>
    %broadcast_in_dim3A_105 = arith.constant 0.000000e+00 : f32
    %broadcast_in_dim3A_106 = vector.broadcast %broadcast_in_dim3A_105 : f32 to vector<512x64xf32>
    %broadcast_in_dim3A_107 = arith.constant 0.000000e+00 : f32
    %broadcast_in_dim3A_108 = vector.broadcast %broadcast_in_dim3A_107 : f32 to vector<512x64xf32>
    %broadcast_in_dim3A_109 = arith.constant 0.000000e+00 : f32
    %broadcast_in_dim3A_110 = vector.broadcast %broadcast_in_dim3A_109 : f32 to vector<512x64xf32>
    %broadcast_in_dim3A_111 = arith.constant 0.000000e+00 : f32
    %broadcast_in_dim3A_112 = vector.broadcast %broadcast_in_dim3A_111 : f32 to vector<512x64xf32>
    %while3A = arith.constant 0 : i32
    %while3A_113 = arith.subi %arg0, %while3A : i32
    %while3A_114 = arith.addi %while3A, %while3A_113 : i32
    %while3A_115 = arith.constant 1 : i32
    %while3A_116 = arith.divsi %while3A_113, %while3A_115 : i32
    %while3A_117 = arith.muli %while3A_116, %while3A_115 : i32
    %while3A_118 = arith.addi %while3A, %while3A_117 : i32
    %while3A_119 = arith.constant 1 : i32
    %while3A_120:32 = scf.for %while3A_386 = %while3A to %while3A_118 step %while3A_119 iter_args(%while3A_387 = %broadcast_in_dim3A_50, %while3A_388 = %broadcast_in_dim3A_52, %while3A_389 = %broadcast_in_dim3A_54, %while3A_390 = %broadcast_in_dim3A_56, %while3A_391 = %broadcast_in_dim3A_58, %while3A_392 = %broadcast_in_dim3A_60, %while3A_393 = %broadcast_in_dim3A_62, %while3A_394 = %broadcast_in_dim3A_64, %while3A_395 = %broadcast_in_dim3A_66, %while3A_396 = %broadcast_in_dim3A_68, %while3A_397 = %broadcast_in_dim3A_70, %while3A_398 = %broadcast_in_dim3A_72, %while3A_399 = %broadcast_in_dim3A_74, %while3A_400 = %broadcast_in_dim3A_76, %while3A_401 = %broadcast_in_dim3A_78, %while3A_402 = %broadcast_in_dim3A_80, %while3A_403 = %broadcast_in_dim3A_82, %while3A_404 = %broadcast_in_dim3A_84, %while3A_405 = %broadcast_in_dim3A_86, %while3A_406 = %broadcast_in_dim3A_88, %while3A_407 = %broadcast_in_dim3A_90, %while3A_408 = %broadcast_in_dim3A_92, %while3A_409 = %broadcast_in_dim3A_94, %while3A_410 = %broadcast_in_dim3A_96, %while3A_411 = %broadcast_in_dim3A_98, %while3A_412 = %broadcast_in_dim3A_100, %while3A_413 = %broadcast_in_dim3A_102, %while3A_414 = %broadcast_in_dim3A_104, %while3A_415 = %broadcast_in_dim3A_106, %while3A_416 = %broadcast_in_dim3A_108, %while3A_417 = %broadcast_in_dim3A_110, %while3A_418 = %broadcast_in_dim3A_112) -> (vector<512x1xf32>, vector<512x1xf32>, vector<512x1xf32>, vector<512x1xf32>, vector<512x1xf32>, vector<512x1xf32>, vector<512x1xf32>, vector<512x1xf32>, vector<512x1xf32>, vector<512x1xf32>, vector<512x1xf32>, vector<512x1xf32>, vector<512x1xf32>, vector<512x1xf32>, vector<512x1xf32>, vector<512x1xf32>, vector<512x64xf32>, vector<512x64xf32>, vector<512x64xf32>, vector<512x64xf32>, vector<512x64xf32>, vector<512x64xf32>, vector<512x64xf32>, vector<512x64xf32>, vector<512x64xf32>, vector<512x64xf32>, vector<512x64xf32>, vector<512x64xf32>, vector<512x64xf32>, vector<512x64xf32>, vector<512x64xf32>, vector<512x64xf32>)  : i32 {
      %mul3A_419 = arith.constant 512 : i32
      %mul3A_420 = arith.muli %while3A_386, %mul3A_419 : i32
      %get3A_421 = arith.index_cast %mul3A_420 : i32 to index
      %get3A_422 = arith.constant 0 : index
      %get3A_423 = vector.load %arg2[%get3A_421, %get3A_422] : memref<2048x256xf32, #tpu.memory_space<vmem>>, vector<512x256xf32>
      %mul3A_424 = arith.constant 512 : i32
      %mul3A_425 = arith.muli %while3A_386, %mul3A_424 : i32
      %get3A_426 = arith.index_cast %mul3A_425 : i32 to index
      %get3A_427 = arith.constant 0 : index
      %get3A_428 = vector.load %arg3[%get3A_426, %get3A_427] : memref<2048x256xf32, #tpu.memory_space<vmem>>, vector<512x256xf32>
      %slice3A_429 = vector.extract_strided_slice %get3A_423 {offsets = [0, 0], sizes = [512, 32], strides = [1, 1]} : vector<512x256xf32> to vector<512x32xf32>
      %slice3A_430 = vector.extract_strided_slice %get3A_423 {offsets = [0, 128], sizes = [512, 32], strides = [1, 1]} : vector<512x256xf32> to vector<512x32xf32>
      %concatenate3A_431 = tpu.concatenate %slice3A_429, %slice3A_430 in 1 : vector<512x32xf32>, vector<512x32xf32> -> vector<512x64xf32>
      %slice3A_432 = vector.extract_strided_slice %get3A_428 {offsets = [0, 0], sizes = [512, 64], strides = [1, 1]} : vector<512x256xf32> to vector<512x64xf32>
      %dot_general3A_433 = arith.constant dense<0.000000e+00> : vector<512x512xf32>
      %dot_general3A_434 = tpu.matmul %concatenate3A, %concatenate3A_431, %dot_general3A_433 {dimension_numbers = #tpu.dot_dimension_numbers<[1], [1], [0], [0], [0, 0, 1, 0], [], []>, transpose_lhs_hint = false} : vector<512x64xf32>, vector<512x64xf32>, vector<512x512xf32> -> vector<512x512xf32>
      %exp3A_435 = math.exp %dot_general3A_434 : vector<512x512xf32>
      %reduce_sum3A_436 = arith.constant dense<0.000000e+00> : vector<512xf32>
      %reduce_sum3A_437 = vector.multi_reduction <add>, %exp3A_435, %reduce_sum3A_436 [1] : vector<512x512xf32> to vector<512xf32>
      %broadcast_in_dim3A_438 = vector.shape_cast %reduce_sum3A_437 : vector<512xf32> to vector<512x1xf32>
      %add3A_439 = arith.addf %while3A_387, %broadcast_in_dim3A_438 : vector<512x1xf32>
      %dot_general3A_440 = arith.constant dense<0.000000e+00> : vector<512x64xf32>
      %dot_general3A_441 = tpu.matmul %exp3A_435, %slice3A_432, %dot_general3A_440 {dimension_numbers = #tpu.dot_dimension_numbers<[1], [0], [0], [1], [0, 0, 1, 1], [], []>, transpose_lhs_hint = false} : vector<512x512xf32>, vector<512x64xf32>, vector<512x64xf32> -> vector<512x64xf32>
      %add3A_442 = arith.addf %while3A_403, %dot_general3A_441 : vector<512x64xf32>
      %dot_general3A_443 = arith.constant dense<0.000000e+00> : vector<512x512xf32>
      %dot_general3A_444 = tpu.matmul %concatenate3A_7, %concatenate3A_431, %dot_general3A_443 {dimension_numbers = #tpu.dot_dimension_numbers<[1], [1], [0], [0], [0, 0, 1, 0], [], []>, transpose_lhs_hint = false} : vector<512x64xf32>, vector<512x64xf32>, vector<512x512xf32> -> vector<512x512xf32>
      %exp3A_445 = math.exp %dot_general3A_444 : vector<512x512xf32>
      %reduce_sum3A_446 = arith.constant dense<0.000000e+00> : vector<512xf32>
      %reduce_sum3A_447 = vector.multi_reduction <add>, %exp3A_445, %reduce_sum3A_446 [1] : vector<512x512xf32> to vector<512xf32>
      %broadcast_in_dim3A_448 = vector.shape_cast %reduce_sum3A_447 : vector<512xf32> to vector<512x1xf32>
      %add3A_449 = arith.addf %while3A_388, %broadcast_in_dim3A_448 : vector<512x1xf32>
      %dot_general3A_450 = arith.constant dense<0.000000e+00> : vector<512x64xf32>
      %dot_general3A_451 = tpu.matmul %exp3A_445, %slice3A_432, %dot_general3A_450 {dimension_numbers = #tpu.dot_dimension_numbers<[1], [0], [0], [1], [0, 0, 1, 1], [], []>, transpose_lhs_hint = false} : vector<512x512xf32>, vector<512x64xf32>, vector<512x64xf32> -> vector<512x64xf32>
      %add3A_452 = arith.addf %while3A_404, %dot_general3A_451 : vector<512x64xf32>
      %dot_general3A_453 = arith.constant dense<0.000000e+00> : vector<512x512xf32>
      %dot_general3A_454 = tpu.matmul %concatenate3A_10, %concatenate3A_431, %dot_general3A_453 {dimension_numbers = #tpu.dot_dimension_numbers<[1], [1], [0], [0], [0, 0, 1, 0], [], []>, transpose_lhs_hint = false} : vector<512x64xf32>, vector<512x64xf32>, vector<512x512xf32> -> vector<512x512xf32>
      %exp3A_455 = math.exp %dot_general3A_454 : vector<512x512xf32>
      %reduce_sum3A_456 = arith.constant dense<0.000000e+00> : vector<512xf32>
      %reduce_sum3A_457 = vector.multi_reduction <add>, %exp3A_455, %reduce_sum3A_456 [1] : vector<512x512xf32> to vector<512xf32>
      %broadcast_in_dim3A_458 = vector.shape_cast %reduce_sum3A_457 : vector<512xf32> to vector<512x1xf32>
      %add3A_459 = arith.addf %while3A_389, %broadcast_in_dim3A_458 : vector<512x1xf32>
      %dot_general3A_460 = arith.constant dense<0.000000e+00> : vector<512x64xf32>
      %dot_general3A_461 = tpu.matmul %exp3A_455, %slice3A_432, %dot_general3A_460 {dimension_numbers = #tpu.dot_dimension_numbers<[1], [0], [0], [1], [0, 0, 1, 1], [], []>, transpose_lhs_hint = false} : vector<512x512xf32>, vector<512x64xf32>, vector<512x64xf32> -> vector<512x64xf32>
      %add3A_462 = arith.addf %while3A_405, %dot_general3A_461 : vector<512x64xf32>
      %dot_general3A_463 = arith.constant dense<0.000000e+00> : vector<512x512xf32>
      %dot_general3A_464 = tpu.matmul %concatenate3A_13, %concatenate3A_431, %dot_general3A_463 {dimension_numbers = #tpu.dot_dimension_numbers<[1], [1], [0], [0], [0, 0, 1, 0], [], []>, transpose_lhs_hint = false} : vector<512x64xf32>, vector<512x64xf32>, vector<512x512xf32> -> vector<512x512xf32>
      %exp3A_465 = math.exp %dot_general3A_464 : vector<512x512xf32>
      %reduce_sum3A_466 = arith.constant dense<0.000000e+00> : vector<512xf32>
      %reduce_sum3A_467 = vector.multi_reduction <add>, %exp3A_465, %reduce_sum3A_466 [1] : vector<512x512xf32> to vector<512xf32>
      %broadcast_in_dim3A_468 = vector.shape_cast %reduce_sum3A_467 : vector<512xf32> to vector<512x1xf32>
      %add3A_469 = arith.addf %while3A_390, %broadcast_in_dim3A_468 : vector<512x1xf32>
      %dot_general3A_470 = arith.constant dense<0.000000e+00> : vector<512x64xf32>
      %dot_general3A_471 = tpu.matmul %exp3A_465, %slice3A_432, %dot_general3A_470 {dimension_numbers = #tpu.dot_dimension_numbers<[1], [0], [0], [1], [0, 0, 1, 1], [], []>, transpose_lhs_hint = false} : vector<512x512xf32>, vector<512x64xf32>, vector<512x64xf32> -> vector<512x64xf32>
      %add3A_472 = arith.addf %while3A_406, %dot_general3A_471 : vector<512x64xf32>
      %slice3A_473 = vector.extract_strided_slice %get3A_423 {offsets = [0, 32], sizes = [512, 32], strides = [1, 1]} : vector<512x256xf32> to vector<512x32xf32>
      %slice3A_474 = vector.extract_strided_slice %get3A_423 {offsets = [0, 160], sizes = [512, 32], strides = [1, 1]} : vector<512x256xf32> to vector<512x32xf32>
      %concatenate3A_475 = tpu.concatenate %slice3A_473, %slice3A_474 in 1 : vector<512x32xf32>, vector<512x32xf32> -> vector<512x64xf32>
      %slice3A_476 = vector.extract_strided_slice %get3A_428 {offsets = [0, 64], sizes = [512, 64], strides = [1, 1]} : vector<512x256xf32> to vector<512x64xf32>
      %dot_general3A_477 = arith.constant dense<0.000000e+00> : vector<512x512xf32>
      %dot_general3A_478 = tpu.matmul %concatenate3A_16, %concatenate3A_475, %dot_general3A_477 {dimension_numbers = #tpu.dot_dimension_numbers<[1], [1], [0], [0], [0, 0, 1, 0], [], []>, transpose_lhs_hint = false} : vector<512x64xf32>, vector<512x64xf32>, vector<512x512xf32> -> vector<512x512xf32>
      %exp3A_479 = math.exp %dot_general3A_478 : vector<512x512xf32>
      %reduce_sum3A_480 = arith.constant dense<0.000000e+00> : vector<512xf32>
      %reduce_sum3A_481 = vector.multi_reduction <add>, %exp3A_479, %reduce_sum3A_480 [1] : vector<512x512xf32> to vector<512xf32>
      %broadcast_in_dim3A_482 = vector.shape_cast %reduce_sum3A_481 : vector<512xf32> to vector<512x1xf32>
      %add3A_483 = arith.addf %while3A_391, %broadcast_in_dim3A_482 : vector<512x1xf32>
      %dot_general3A_484 = arith.constant dense<0.000000e+00> : vector<512x64xf32>
      %dot_general3A_485 = tpu.matmul %exp3A_479, %slice3A_476, %dot_general3A_484 {dimension_numbers = #tpu.dot_dimension_numbers<[1], [0], [0], [1], [0, 0, 1, 1], [], []>, transpose_lhs_hint = false} : vector<512x512xf32>, vector<512x64xf32>, vector<512x64xf32> -> vector<512x64xf32>
      %add3A_486 = arith.addf %while3A_407, %dot_general3A_485 : vector<512x64xf32>
      %dot_general3A_487 = arith.constant dense<0.000000e+00> : vector<512x512xf32>
      %dot_general3A_488 = tpu.matmul %concatenate3A_19, %concatenate3A_475, %dot_general3A_487 {dimension_numbers = #tpu.dot_dimension_numbers<[1], [1], [0], [0], [0, 0, 1, 0], [], []>, transpose_lhs_hint = false} : vector<512x64xf32>, vector<512x64xf32>, vector<512x512xf32> -> vector<512x512xf32>
      %exp3A_489 = math.exp %dot_general3A_488 : vector<512x512xf32>
      %reduce_sum3A_490 = arith.constant dense<0.000000e+00> : vector<512xf32>
      %reduce_sum3A_491 = vector.multi_reduction <add>, %exp3A_489, %reduce_sum3A_490 [1] : vector<512x512xf32> to vector<512xf32>
      %broadcast_in_dim3A_492 = vector.shape_cast %reduce_sum3A_491 : vector<512xf32> to vector<512x1xf32>
      %add3A_493 = arith.addf %while3A_392, %broadcast_in_dim3A_492 : vector<512x1xf32>
      %dot_general3A_494 = arith.constant dense<0.000000e+00> : vector<512x64xf32>
      %dot_general3A_495 = tpu.matmul %exp3A_489, %slice3A_476, %dot_general3A_494 {dimension_numbers = #tpu.dot_dimension_numbers<[1], [0], [0], [1], [0, 0, 1, 1], [], []>, transpose_lhs_hint = false} : vector<512x512xf32>, vector<512x64xf32>, vector<512x64xf32> -> vector<512x64xf32>
      %add3A_496 = arith.addf %while3A_408, %dot_general3A_495 : vector<512x64xf32>
      %dot_general3A_497 = arith.constant dense<0.000000e+00> : vector<512x512xf32>
      %dot_general3A_498 = tpu.matmul %concatenate3A_22, %concatenate3A_475, %dot_general3A_497 {dimension_numbers = #tpu.dot_dimension_numbers<[1], [1], [0], [0], [0, 0, 1, 0], [], []>, transpose_lhs_hint = false} : vector<512x64xf32>, vector<512x64xf32>, vector<512x512xf32> -> vector<512x512xf32>
      %exp3A_499 = math.exp %dot_general3A_498 : vector<512x512xf32>
      %reduce_sum3A_500 = arith.constant dense<0.000000e+00> : vector<512xf32>
      %reduce_sum3A_501 = vector.multi_reduction <add>, %exp3A_499, %reduce_sum3A_500 [1] : vector<512x512xf32> to vector<512xf32>
      %broadcast_in_dim3A_502 = vector.shape_cast %reduce_sum3A_501 : vector<512xf32> to vector<512x1xf32>
      %add3A_503 = arith.addf %while3A_393, %broadcast_in_dim3A_502 : vector<512x1xf32>
      %dot_general3A_504 = arith.constant dense<0.000000e+00> : vector<512x64xf32>
      %dot_general3A_505 = tpu.matmul %exp3A_499, %slice3A_476, %dot_general3A_504 {dimension_numbers = #tpu.dot_dimension_numbers<[1], [0], [0], [1], [0, 0, 1, 1], [], []>, transpose_lhs_hint = false} : vector<512x512xf32>, vector<512x64xf32>, vector<512x64xf32> -> vector<512x64xf32>
      %add3A_506 = arith.addf %while3A_409, %dot_general3A_505 : vector<512x64xf32>
      %dot_general3A_507 = arith.constant dense<0.000000e+00> : vector<512x512xf32>
      %dot_general3A_508 = tpu.matmul %concatenate3A_25, %concatenate3A_475, %dot_general3A_507 {dimension_numbers = #tpu.dot_dimension_numbers<[1], [1], [0], [0], [0, 0, 1, 0], [], []>, transpose_lhs_hint = false} : vector<512x64xf32>, vector<512x64xf32>, vector<512x512xf32> -> vector<512x512xf32>
      %exp3A_509 = math.exp %dot_general3A_508 : vector<512x512xf32>
      %reduce_sum3A_510 = arith.constant dense<0.000000e+00> : vector<512xf32>
      %reduce_sum3A_511 = vector.multi_reduction <add>, %exp3A_509, %reduce_sum3A_510 [1] : vector<512x512xf32> to vector<512xf32>
      %broadcast_in_dim3A_512 = vector.shape_cast %reduce_sum3A_511 : vector<512xf32> to vector<512x1xf32>
      %add3A_513 = arith.addf %while3A_394, %broadcast_in_dim3A_512 : vector<512x1xf32>
      %dot_general3A_514 = arith.constant dense<0.000000e+00> : vector<512x64xf32>
      %dot_general3A_515 = tpu.matmul %exp3A_509, %slice3A_476, %dot_general3A_514 {dimension_numbers = #tpu.dot_dimension_numbers<[1], [0], [0], [1], [0, 0, 1, 1], [], []>, transpose_lhs_hint = false} : vector<512x512xf32>, vector<512x64xf32>, vector<512x64xf32> -> vector<512x64xf32>
      %add3A_516 = arith.addf %while3A_410, %dot_general3A_515 : vector<512x64xf32>
      %slice3A_517 = vector.extract_strided_slice %get3A_423 {offsets = [0, 64], sizes = [512, 32], strides = [1, 1]} : vector<512x256xf32> to vector<512x32xf32>
      %slice3A_518 = vector.extract_strided_slice %get3A_423 {offsets = [0, 192], sizes = [512, 32], strides = [1, 1]} : vector<512x256xf32> to vector<512x32xf32>
      %concatenate3A_519 = tpu.concatenate %slice3A_517, %slice3A_518 in 1 : vector<512x32xf32>, vector<512x32xf32> -> vector<512x64xf32>
      %slice3A_520 = vector.extract_strided_slice %get3A_428 {offsets = [0, 128], sizes = [512, 64], strides = [1, 1]} : vector<512x256xf32> to vector<512x64xf32>
      %dot_general3A_521 = arith.constant dense<0.000000e+00> : vector<512x512xf32>
      %dot_general3A_522 = tpu.matmul %concatenate3A_28, %concatenate3A_519, %dot_general3A_521 {dimension_numbers = #tpu.dot_dimension_numbers<[1], [1], [0], [0], [0, 0, 1, 0], [], []>, transpose_lhs_hint = false} : vector<512x64xf32>, vector<512x64xf32>, vector<512x512xf32> -> vector<512x512xf32>
      %exp3A_523 = math.exp %dot_general3A_522 : vector<512x512xf32>
      %reduce_sum3A_524 = arith.constant dense<0.000000e+00> : vector<512xf32>
      %reduce_sum3A_525 = vector.multi_reduction <add>, %exp3A_523, %reduce_sum3A_524 [1] : vector<512x512xf32> to vector<512xf32>
      %broadcast_in_dim3A_526 = vector.shape_cast %reduce_sum3A_525 : vector<512xf32> to vector<512x1xf32>
      %add3A_527 = arith.addf %while3A_395, %broadcast_in_dim3A_526 : vector<512x1xf32>
      %dot_general3A_528 = arith.constant dense<0.000000e+00> : vector<512x64xf32>
      %dot_general3A_529 = tpu.matmul %exp3A_523, %slice3A_520, %dot_general3A_528 {dimension_numbers = #tpu.dot_dimension_numbers<[1], [0], [0], [1], [0, 0, 1, 1], [], []>, transpose_lhs_hint = false} : vector<512x512xf32>, vector<512x64xf32>, vector<512x64xf32> -> vector<512x64xf32>
      %add3A_530 = arith.addf %while3A_411, %dot_general3A_529 : vector<512x64xf32>
      %dot_general3A_531 = arith.constant dense<0.000000e+00> : vector<512x512xf32>
      %dot_general3A_532 = tpu.matmul %concatenate3A_31, %concatenate3A_519, %dot_general3A_531 {dimension_numbers = #tpu.dot_dimension_numbers<[1], [1], [0], [0], [0, 0, 1, 0], [], []>, transpose_lhs_hint = false} : vector<512x64xf32>, vector<512x64xf32>, vector<512x512xf32> -> vector<512x512xf32>
      %exp3A_533 = math.exp %dot_general3A_532 : vector<512x512xf32>
      %reduce_sum3A_534 = arith.constant dense<0.000000e+00> : vector<512xf32>
      %reduce_sum3A_535 = vector.multi_reduction <add>, %exp3A_533, %reduce_sum3A_534 [1] : vector<512x512xf32> to vector<512xf32>
      %broadcast_in_dim3A_536 = vector.shape_cast %reduce_sum3A_535 : vector<512xf32> to vector<512x1xf32>
      %add3A_537 = arith.addf %while3A_396, %broadcast_in_dim3A_536 : vector<512x1xf32>
      %dot_general3A_538 = arith.constant dense<0.000000e+00> : vector<512x64xf32>
      %dot_general3A_539 = tpu.matmul %exp3A_533, %slice3A_520, %dot_general3A_538 {dimension_numbers = #tpu.dot_dimension_numbers<[1], [0], [0], [1], [0, 0, 1, 1], [], []>, transpose_lhs_hint = false} : vector<512x512xf32>, vector<512x64xf32>, vector<512x64xf32> -> vector<512x64xf32>
      %add3A_540 = arith.addf %while3A_412, %dot_general3A_539 : vector<512x64xf32>
      %dot_general3A_541 = arith.constant dense<0.000000e+00> : vector<512x512xf32>
      %dot_general3A_542 = tpu.matmul %concatenate3A_34, %concatenate3A_519, %dot_general3A_541 {dimension_numbers = #tpu.dot_dimension_numbers<[1], [1], [0], [0], [0, 0, 1, 0], [], []>, transpose_lhs_hint = false} : vector<512x64xf32>, vector<512x64xf32>, vector<512x512xf32> -> vector<512x512xf32>
      %exp3A_543 = math.exp %dot_general3A_542 : vector<512x512xf32>
      %reduce_sum3A_544 = arith.constant dense<0.000000e+00> : vector<512xf32>
      %reduce_sum3A_545 = vector.multi_reduction <add>, %exp3A_543, %reduce_sum3A_544 [1] : vector<512x512xf32> to vector<512xf32>
      %broadcast_in_dim3A_546 = vector.shape_cast %reduce_sum3A_545 : vector<512xf32> to vector<512x1xf32>
      %add3A_547 = arith.addf %while3A_397, %broadcast_in_dim3A_546 : vector<512x1xf32>
      %dot_general3A_548 = arith.constant dense<0.000000e+00> : vector<512x64xf32>
      %dot_general3A_549 = tpu.matmul %exp3A_543, %slice3A_520, %dot_general3A_548 {dimension_numbers = #tpu.dot_dimension_numbers<[1], [0], [0], [1], [0, 0, 1, 1], [], []>, transpose_lhs_hint = false} : vector<512x512xf32>, vector<512x64xf32>, vector<512x64xf32> -> vector<512x64xf32>
      %add3A_550 = arith.addf %while3A_413, %dot_general3A_549 : vector<512x64xf32>
      %dot_general3A_551 = arith.constant dense<0.000000e+00> : vector<512x512xf32>
      %dot_general3A_552 = tpu.matmul %concatenate3A_37, %concatenate3A_519, %dot_general3A_551 {dimension_numbers = #tpu.dot_dimension_numbers<[1], [1], [0], [0], [0, 0, 1, 0], [], []>, transpose_lhs_hint = false} : vector<512x64xf32>, vector<512x64xf32>, vector<512x512xf32> -> vector<512x512xf32>
      %exp3A_553 = math.exp %dot_general3A_552 : vector<512x512xf32>
      %reduce_sum3A_554 = arith.constant dense<0.000000e+00> : vector<512xf32>
      %reduce_sum3A_555 = vector.multi_reduction <add>, %exp3A_553, %reduce_sum3A_554 [1] : vector<512x512xf32> to vector<512xf32>
      %broadcast_in_dim3A_556 = vector.shape_cast %reduce_sum3A_555 : vector<512xf32> to vector<512x1xf32>
      %add3A_557 = arith.addf %while3A_398, %broadcast_in_dim3A_556 : vector<512x1xf32>
      %dot_general3A_558 = arith.constant dense<0.000000e+00> : vector<512x64xf32>
      %dot_general3A_559 = tpu.matmul %exp3A_553, %slice3A_520, %dot_general3A_558 {dimension_numbers = #tpu.dot_dimension_numbers<[1], [0], [0], [1], [0, 0, 1, 1], [], []>, transpose_lhs_hint = false} : vector<512x512xf32>, vector<512x64xf32>, vector<512x64xf32> -> vector<512x64xf32>
      %add3A_560 = arith.addf %while3A_414, %dot_general3A_559 : vector<512x64xf32>
      %slice3A_561 = vector.extract_strided_slice %get3A_423 {offsets = [0, 96], sizes = [512, 32], strides = [1, 1]} : vector<512x256xf32> to vector<512x32xf32>
      %slice3A_562 = vector.extract_strided_slice %get3A_423 {offsets = [0, 224], sizes = [512, 32], strides = [1, 1]} : vector<512x256xf32> to vector<512x32xf32>
      %concatenate3A_563 = tpu.concatenate %slice3A_561, %slice3A_562 in 1 : vector<512x32xf32>, vector<512x32xf32> -> vector<512x64xf32>
      %slice3A_564 = vector.extract_strided_slice %get3A_428 {offsets = [0, 192], sizes = [512, 64], strides = [1, 1]} : vector<512x256xf32> to vector<512x64xf32>
      %dot_general3A_565 = arith.constant dense<0.000000e+00> : vector<512x512xf32>
      %dot_general3A_566 = tpu.matmul %concatenate3A_40, %concatenate3A_563, %dot_general3A_565 {dimension_numbers = #tpu.dot_dimension_numbers<[1], [1], [0], [0], [0, 0, 1, 0], [], []>, transpose_lhs_hint = false} : vector<512x64xf32>, vector<512x64xf32>, vector<512x512xf32> -> vector<512x512xf32>
      %exp3A_567 = math.exp %dot_general3A_566 : vector<512x512xf32>
      %reduce_sum3A_568 = arith.constant dense<0.000000e+00> : vector<512xf32>
      %reduce_sum3A_569 = vector.multi_reduction <add>, %exp3A_567, %reduce_sum3A_568 [1] : vector<512x512xf32> to vector<512xf32>
      %broadcast_in_dim3A_570 = vector.shape_cast %reduce_sum3A_569 : vector<512xf32> to vector<512x1xf32>
      %add3A_571 = arith.addf %while3A_399, %broadcast_in_dim3A_570 : vector<512x1xf32>
      %dot_general3A_572 = arith.constant dense<0.000000e+00> : vector<512x64xf32>
      %dot_general3A_573 = tpu.matmul %exp3A_567, %slice3A_564, %dot_general3A_572 {dimension_numbers = #tpu.dot_dimension_numbers<[1], [0], [0], [1], [0, 0, 1, 1], [], []>, transpose_lhs_hint = false} : vector<512x512xf32>, vector<512x64xf32>, vector<512x64xf32> -> vector<512x64xf32>
      %add3A_574 = arith.addf %while3A_415, %dot_general3A_573 : vector<512x64xf32>
      %dot_general3A_575 = arith.constant dense<0.000000e+00> : vector<512x512xf32>
      %dot_general3A_576 = tpu.matmul %concatenate3A_43, %concatenate3A_563, %dot_general3A_575 {dimension_numbers = #tpu.dot_dimension_numbers<[1], [1], [0], [0], [0, 0, 1, 0], [], []>, transpose_lhs_hint = false} : vector<512x64xf32>, vector<512x64xf32>, vector<512x512xf32> -> vector<512x512xf32>
      %exp3A_577 = math.exp %dot_general3A_576 : vector<512x512xf32>
      %reduce_sum3A_578 = arith.constant dense<0.000000e+00> : vector<512xf32>
      %reduce_sum3A_579 = vector.multi_reduction <add>, %exp3A_577, %reduce_sum3A_578 [1] : vector<512x512xf32> to vector<512xf32>
      %broadcast_in_dim3A_580 = vector.shape_cast %reduce_sum3A_579 : vector<512xf32> to vector<512x1xf32>
      %add3A_581 = arith.addf %while3A_400, %broadcast_in_dim3A_580 : vector<512x1xf32>
      %dot_general3A_582 = arith.constant dense<0.000000e+00> : vector<512x64xf32>
      %dot_general3A_583 = tpu.matmul %exp3A_577, %slice3A_564, %dot_general3A_582 {dimension_numbers = #tpu.dot_dimension_numbers<[1], [0], [0], [1], [0, 0, 1, 1], [], []>, transpose_lhs_hint = false} : vector<512x512xf32>, vector<512x64xf32>, vector<512x64xf32> -> vector<512x64xf32>
      %add3A_584 = arith.addf %while3A_416, %dot_general3A_583 : vector<512x64xf32>
      %dot_general3A_585 = arith.constant dense<0.000000e+00> : vector<512x512xf32>
      %dot_general3A_586 = tpu.matmul %concatenate3A_46, %concatenate3A_563, %dot_general3A_585 {dimension_numbers = #tpu.dot_dimension_numbers<[1], [1], [0], [0], [0, 0, 1, 0], [], []>, transpose_lhs_hint = false} : vector<512x64xf32>, vector<512x64xf32>, vector<512x512xf32> -> vector<512x512xf32>
      %exp3A_587 = math.exp %dot_general3A_586 : vector<512x512xf32>
      %reduce_sum3A_588 = arith.constant dense<0.000000e+00> : vector<512xf32>
      %reduce_sum3A_589 = vector.multi_reduction <add>, %exp3A_587, %reduce_sum3A_588 [1] : vector<512x512xf32> to vector<512xf32>
      %broadcast_in_dim3A_590 = vector.shape_cast %reduce_sum3A_589 : vector<512xf32> to vector<512x1xf32>
      %add3A_591 = arith.addf %while3A_401, %broadcast_in_dim3A_590 : vector<512x1xf32>
      %dot_general3A_592 = arith.constant dense<0.000000e+00> : vector<512x64xf32>
      %dot_general3A_593 = tpu.matmul %exp3A_587, %slice3A_564, %dot_general3A_592 {dimension_numbers = #tpu.dot_dimension_numbers<[1], [0], [0], [1], [0, 0, 1, 1], [], []>, transpose_lhs_hint = false} : vector<512x512xf32>, vector<512x64xf32>, vector<512x64xf32> -> vector<512x64xf32>
      %add3A_594 = arith.addf %while3A_417, %dot_general3A_593 : vector<512x64xf32>
      %dot_general3A_595 = arith.constant dense<0.000000e+00> : vector<512x512xf32>
      %dot_general3A_596 = tpu.matmul %concatenate3A_49, %concatenate3A_563, %dot_general3A_595 {dimension_numbers = #tpu.dot_dimension_numbers<[1], [1], [0], [0], [0, 0, 1, 0], [], []>, transpose_lhs_hint = false} : vector<512x64xf32>, vector<512x64xf32>, vector<512x512xf32> -> vector<512x512xf32>
      %exp3A_597 = math.exp %dot_general3A_596 : vector<512x512xf32>
      %reduce_sum3A_598 = arith.constant dense<0.000000e+00> : vector<512xf32>
      %reduce_sum3A_599 = vector.multi_reduction <add>, %exp3A_597, %reduce_sum3A_598 [1] : vector<512x512xf32> to vector<512xf32>
      %broadcast_in_dim3A_600 = vector.shape_cast %reduce_sum3A_599 : vector<512xf32> to vector<512x1xf32>
      %add3A_601 = arith.addf %while3A_402, %broadcast_in_dim3A_600 : vector<512x1xf32>
      %dot_general3A_602 = arith.constant dense<0.000000e+00> : vector<512x64xf32>
      %dot_general3A_603 = tpu.matmul %exp3A_597, %slice3A_564, %dot_general3A_602 {dimension_numbers = #tpu.dot_dimension_numbers<[1], [0], [0], [1], [0, 0, 1, 1], [], []>, transpose_lhs_hint = false} : vector<512x512xf32>, vector<512x64xf32>, vector<512x64xf32> -> vector<512x64xf32>
      %add3A_604 = arith.addf %while3A_418, %dot_general3A_603 : vector<512x64xf32>
      scf.yield %add3A_439, %add3A_449, %add3A_459, %add3A_469, %add3A_483, %add3A_493, %add3A_503, %add3A_513, %add3A_527, %add3A_537, %add3A_547, %add3A_557, %add3A_571, %add3A_581, %add3A_591, %add3A_601, %add3A_442, %add3A_452, %add3A_462, %add3A_472, %add3A_486, %add3A_496, %add3A_506, %add3A_516, %add3A_530, %add3A_540, %add3A_550, %add3A_560, %add3A_574, %add3A_584, %add3A_594, %add3A_604 : vector<512x1xf32>, vector<512x1xf32>, vector<512x1xf32>, vector<512x1xf32>, vector<512x1xf32>, vector<512x1xf32>, vector<512x1xf32>, vector<512x1xf32>, vector<512x1xf32>, vector<512x1xf32>, vector<512x1xf32>, vector<512x1xf32>, vector<512x1xf32>, vector<512x1xf32>, vector<512x1xf32>, vector<512x1xf32>, vector<512x64xf32>, vector<512x64xf32>, vector<512x64xf32>, vector<512x64xf32>, vector<512x64xf32>, vector<512x64xf32>, vector<512x64xf32>, vector<512x64xf32>, vector<512x64xf32>, vector<512x64xf32>, vector<512x64xf32>, vector<512x64xf32>, vector<512x64xf32>, vector<512x64xf32>, vector<512x64xf32>, vector<512x64xf32>
    }
    %while3A_121 = arith.constant 1 : i32
    %while3A_122:32 = scf.for %while3A_386 = %while3A_118 to %while3A_114 step %while3A_121 iter_args(%while3A_387 = %while3A_120#0, %while3A_388 = %while3A_120#1, %while3A_389 = %while3A_120#2, %while3A_390 = %while3A_120#3, %while3A_391 = %while3A_120#4, %while3A_392 = %while3A_120#5, %while3A_393 = %while3A_120#6, %while3A_394 = %while3A_120#7, %while3A_395 = %while3A_120#8, %while3A_396 = %while3A_120#9, %while3A_397 = %while3A_120#10, %while3A_398 = %while3A_120#11, %while3A_399 = %while3A_120#12, %while3A_400 = %while3A_120#13, %while3A_401 = %while3A_120#14, %while3A_402 = %while3A_120#15, %while3A_403 = %while3A_120#16, %while3A_404 = %while3A_120#17, %while3A_405 = %while3A_120#18, %while3A_406 = %while3A_120#19, %while3A_407 = %while3A_120#20, %while3A_408 = %while3A_120#21, %while3A_409 = %while3A_120#22, %while3A_410 = %while3A_120#23, %while3A_411 = %while3A_120#24, %while3A_412 = %while3A_120#25, %while3A_413 = %while3A_120#26, %while3A_414 = %while3A_120#27, %while3A_415 = %while3A_120#28, %while3A_416 = %while3A_120#29, %while3A_417 = %while3A_120#30, %while3A_418 = %while3A_120#31) -> (vector<512x1xf32>, vector<512x1xf32>, vector<512x1xf32>, vector<512x1xf32>, vector<512x1xf32>, vector<512x1xf32>, vector<512x1xf32>, vector<512x1xf32>, vector<512x1xf32>, vector<512x1xf32>, vector<512x1xf32>, vector<512x1xf32>, vector<512x1xf32>, vector<512x1xf32>, vector<512x1xf32>, vector<512x1xf32>, vector<512x64xf32>, vector<512x64xf32>, vector<512x64xf32>, vector<512x64xf32>, vector<512x64xf32>, vector<512x64xf32>, vector<512x64xf32>, vector<512x64xf32>, vector<512x64xf32>, vector<512x64xf32>, vector<512x64xf32>, vector<512x64xf32>, vector<512x64xf32>, vector<512x64xf32>, vector<512x64xf32>, vector<512x64xf32>)  : i32 {
      %mul3A_419 = arith.constant 512 : i32
      %mul3A_420 = arith.muli %while3A_386, %mul3A_419 : i32
      %get3A_421 = arith.index_cast %mul3A_420 : i32 to index
      %get3A_422 = arith.constant 0 : index
      %get3A_423 = vector.load %arg2[%get3A_421, %get3A_422] : memref<2048x256xf32, #tpu.memory_space<vmem>>, vector<512x256xf32>
      %mul3A_424 = arith.constant 512 : i32
      %mul3A_425 = arith.muli %while3A_386, %mul3A_424 : i32
      %get3A_426 = arith.index_cast %mul3A_425 : i32 to index
      %get3A_427 = arith.constant 0 : index
      %get3A_428 = vector.load %arg3[%get3A_426, %get3A_427] : memref<2048x256xf32, #tpu.memory_space<vmem>>, vector<512x256xf32>
      %slice3A_429 = vector.extract_strided_slice %get3A_423 {offsets = [0, 0], sizes = [512, 32], strides = [1, 1]} : vector<512x256xf32> to vector<512x32xf32>
      %slice3A_430 = vector.extract_strided_slice %get3A_423 {offsets = [0, 128], sizes = [512, 32], strides = [1, 1]} : vector<512x256xf32> to vector<512x32xf32>
      %concatenate3A_431 = tpu.concatenate %slice3A_429, %slice3A_430 in 1 : vector<512x32xf32>, vector<512x32xf32> -> vector<512x64xf32>
      %slice3A_432 = vector.extract_strided_slice %get3A_428 {offsets = [0, 0], sizes = [512, 64], strides = [1, 1]} : vector<512x256xf32> to vector<512x64xf32>
      %dot_general3A_433 = arith.constant dense<0.000000e+00> : vector<512x512xf32>
      %dot_general3A_434 = tpu.matmul %concatenate3A, %concatenate3A_431, %dot_general3A_433 {dimension_numbers = #tpu.dot_dimension_numbers<[1], [1], [0], [0], [0, 0, 1, 0], [], []>, transpose_lhs_hint = false} : vector<512x64xf32>, vector<512x64xf32>, vector<512x512xf32> -> vector<512x512xf32>
      %exp3A_435 = math.exp %dot_general3A_434 : vector<512x512xf32>
      %reduce_sum3A_436 = arith.constant dense<0.000000e+00> : vector<512xf32>
      %reduce_sum3A_437 = vector.multi_reduction <add>, %exp3A_435, %reduce_sum3A_436 [1] : vector<512x512xf32> to vector<512xf32>
      %broadcast_in_dim3A_438 = vector.shape_cast %reduce_sum3A_437 : vector<512xf32> to vector<512x1xf32>
      %add3A_439 = arith.addf %while3A_387, %broadcast_in_dim3A_438 : vector<512x1xf32>
      %dot_general3A_440 = arith.constant dense<0.000000e+00> : vector<512x64xf32>
      %dot_general3A_441 = tpu.matmul %exp3A_435, %slice3A_432, %dot_general3A_440 {dimension_numbers = #tpu.dot_dimension_numbers<[1], [0], [0], [1], [0, 0, 1, 1], [], []>, transpose_lhs_hint = false} : vector<512x512xf32>, vector<512x64xf32>, vector<512x64xf32> -> vector<512x64xf32>
      %add3A_442 = arith.addf %while3A_403, %dot_general3A_441 : vector<512x64xf32>
      %dot_general3A_443 = arith.constant dense<0.000000e+00> : vector<512x512xf32>
      %dot_general3A_444 = tpu.matmul %concatenate3A_7, %concatenate3A_431, %dot_general3A_443 {dimension_numbers = #tpu.dot_dimension_numbers<[1], [1], [0], [0], [0, 0, 1, 0], [], []>, transpose_lhs_hint = false} : vector<512x64xf32>, vector<512x64xf32>, vector<512x512xf32> -> vector<512x512xf32>
      %exp3A_445 = math.exp %dot_general3A_444 : vector<512x512xf32>
      %reduce_sum3A_446 = arith.constant dense<0.000000e+00> : vector<512xf32>
      %reduce_sum3A_447 = vector.multi_reduction <add>, %exp3A_445, %reduce_sum3A_446 [1] : vector<512x512xf32> to vector<512xf32>
      %broadcast_in_dim3A_448 = vector.shape_cast %reduce_sum3A_447 : vector<512xf32> to vector<512x1xf32>
      %add3A_449 = arith.addf %while3A_388, %broadcast_in_dim3A_448 : vector<512x1xf32>
      %dot_general3A_450 = arith.constant dense<0.000000e+00> : vector<512x64xf32>
      %dot_general3A_451 = tpu.matmul %exp3A_445, %slice3A_432, %dot_general3A_450 {dimension_numbers = #tpu.dot_dimension_numbers<[1], [0], [0], [1], [0, 0, 1, 1], [], []>, transpose_lhs_hint = false} : vector<512x512xf32>, vector<512x64xf32>, vector<512x64xf32> -> vector<512x64xf32>
      %add3A_452 = arith.addf %while3A_404, %dot_general3A_451 : vector<512x64xf32>
      %dot_general3A_453 = arith.constant dense<0.000000e+00> : vector<512x512xf32>
      %dot_general3A_454 = tpu.matmul %concatenate3A_10, %concatenate3A_431, %dot_general3A_453 {dimension_numbers = #tpu.dot_dimension_numbers<[1], [1], [0], [0], [0, 0, 1, 0], [], []>, transpose_lhs_hint = false} : vector<512x64xf32>, vector<512x64xf32>, vector<512x512xf32> -> vector<512x512xf32>
      %exp3A_455 = math.exp %dot_general3A_454 : vector<512x512xf32>
      %reduce_sum3A_456 = arith.constant dense<0.000000e+00> : vector<512xf32>
      %reduce_sum3A_457 = vector.multi_reduction <add>, %exp3A_455, %reduce_sum3A_456 [1] : vector<512x512xf32> to vector<512xf32>
      %broadcast_in_dim3A_458 = vector.shape_cast %reduce_sum3A_457 : vector<512xf32> to vector<512x1xf32>
      %add3A_459 = arith.addf %while3A_389, %broadcast_in_dim3A_458 : vector<512x1xf32>
      %dot_general3A_460 = arith.constant dense<0.000000e+00> : vector<512x64xf32>
      %dot_general3A_461 = tpu.matmul %exp3A_455, %slice3A_432, %dot_general3A_460 {dimension_numbers = #tpu.dot_dimension_numbers<[1], [0], [0], [1], [0, 0, 1, 1], [], []>, transpose_lhs_hint = false} : vector<512x512xf32>, vector<512x64xf32>, vector<512x64xf32> -> vector<512x64xf32>
      %add3A_462 = arith.addf %while3A_405, %dot_general3A_461 : vector<512x64xf32>
      %dot_general3A_463 = arith.constant dense<0.000000e+00> : vector<512x512xf32>
      %dot_general3A_464 = tpu.matmul %concatenate3A_13, %concatenate3A_431, %dot_general3A_463 {dimension_numbers = #tpu.dot_dimension_numbers<[1], [1], [0], [0], [0, 0, 1, 0], [], []>, transpose_lhs_hint = false} : vector<512x64xf32>, vector<512x64xf32>, vector<512x512xf32> -> vector<512x512xf32>
      %exp3A_465 = math.exp %dot_general3A_464 : vector<512x512xf32>
      %reduce_sum3A_466 = arith.constant dense<0.000000e+00> : vector<512xf32>
      %reduce_sum3A_467 = vector.multi_reduction <add>, %exp3A_465, %reduce_sum3A_466 [1] : vector<512x512xf32> to vector<512xf32>
      %broadcast_in_dim3A_468 = vector.shape_cast %reduce_sum3A_467 : vector<512xf32> to vector<512x1xf32>
      %add3A_469 = arith.addf %while3A_390, %broadcast_in_dim3A_468 : vector<512x1xf32>
      %dot_general3A_470 = arith.constant dense<0.000000e+00> : vector<512x64xf32>
      %dot_general3A_471 = tpu.matmul %exp3A_465, %slice3A_432, %dot_general3A_470 {dimension_numbers = #tpu.dot_dimension_numbers<[1], [0], [0], [1], [0, 0, 1, 1], [], []>, transpose_lhs_hint = false} : vector<512x512xf32>, vector<512x64xf32>, vector<512x64xf32> -> vector<512x64xf32>
      %add3A_472 = arith.addf %while3A_406, %dot_general3A_471 : vector<512x64xf32>
      %slice3A_473 = vector.extract_strided_slice %get3A_423 {offsets = [0, 32], sizes = [512, 32], strides = [1, 1]} : vector<512x256xf32> to vector<512x32xf32>
      %slice3A_474 = vector.extract_strided_slice %get3A_423 {offsets = [0, 160], sizes = [512, 32], strides = [1, 1]} : vector<512x256xf32> to vector<512x32xf32>
      %concatenate3A_475 = tpu.concatenate %slice3A_473, %slice3A_474 in 1 : vector<512x32xf32>, vector<512x32xf32> -> vector<512x64xf32>
      %slice3A_476 = vector.extract_strided_slice %get3A_428 {offsets = [0, 64], sizes = [512, 64], strides = [1, 1]} : vector<512x256xf32> to vector<512x64xf32>
      %dot_general3A_477 = arith.constant dense<0.000000e+00> : vector<512x512xf32>
      %dot_general3A_478 = tpu.matmul %concatenate3A_16, %concatenate3A_475, %dot_general3A_477 {dimension_numbers = #tpu.dot_dimension_numbers<[1], [1], [0], [0], [0, 0, 1, 0], [], []>, transpose_lhs_hint = false} : vector<512x64xf32>, vector<512x64xf32>, vector<512x512xf32> -> vector<512x512xf32>
      %exp3A_479 = math.exp %dot_general3A_478 : vector<512x512xf32>
      %reduce_sum3A_480 = arith.constant dense<0.000000e+00> : vector<512xf32>
      %reduce_sum3A_481 = vector.multi_reduction <add>, %exp3A_479, %reduce_sum3A_480 [1] : vector<512x512xf32> to vector<512xf32>
      %broadcast_in_dim3A_482 = vector.shape_cast %reduce_sum3A_481 : vector<512xf32> to vector<512x1xf32>
      %add3A_483 = arith.addf %while3A_391, %broadcast_in_dim3A_482 : vector<512x1xf32>
      %dot_general3A_484 = arith.constant dense<0.000000e+00> : vector<512x64xf32>
      %dot_general3A_485 = tpu.matmul %exp3A_479, %slice3A_476, %dot_general3A_484 {dimension_numbers = #tpu.dot_dimension_numbers<[1], [0], [0], [1], [0, 0, 1, 1], [], []>, transpose_lhs_hint = false} : vector<512x512xf32>, vector<512x64xf32>, vector<512x64xf32> -> vector<512x64xf32>
      %add3A_486 = arith.addf %while3A_407, %dot_general3A_485 : vector<512x64xf32>
      %dot_general3A_487 = arith.constant dense<0.000000e+00> : vector<512x512xf32>
      %dot_general3A_488 = tpu.matmul %concatenate3A_19, %concatenate3A_475, %dot_general3A_487 {dimension_numbers = #tpu.dot_dimension_numbers<[1], [1], [0], [0], [0, 0, 1, 0], [], []>, transpose_lhs_hint = false} : vector<512x64xf32>, vector<512x64xf32>, vector<512x512xf32> -> vector<512x512xf32>
      %exp3A_489 = math.exp %dot_general3A_488 : vector<512x512xf32>
      %reduce_sum3A_490 = arith.constant dense<0.000000e+00> : vector<512xf32>
      %reduce_sum3A_491 = vector.multi_reduction <add>, %exp3A_489, %reduce_sum3A_490 [1] : vector<512x512xf32> to vector<512xf32>
      %broadcast_in_dim3A_492 = vector.shape_cast %reduce_sum3A_491 : vector<512xf32> to vector<512x1xf32>
      %add3A_493 = arith.addf %while3A_392, %broadcast_in_dim3A_492 : vector<512x1xf32>
      %dot_general3A_494 = arith.constant dense<0.000000e+00> : vector<512x64xf32>
      %dot_general3A_495 = tpu.matmul %exp3A_489, %slice3A_476, %dot_general3A_494 {dimension_numbers = #tpu.dot_dimension_numbers<[1], [0], [0], [1], [0, 0, 1, 1], [], []>, transpose_lhs_hint = false} : vector<512x512xf32>, vector<512x64xf32>, vector<512x64xf32> -> vector<512x64xf32>
      %add3A_496 = arith.addf %while3A_408, %dot_general3A_495 : vector<512x64xf32>
      %dot_general3A_497 = arith.constant dense<0.000000e+00> : vector<512x512xf32>
      %dot_general3A_498 = tpu.matmul %concatenate3A_22, %concatenate3A_475, %dot_general3A_497 {dimension_numbers = #tpu.dot_dimension_numbers<[1], [1], [0], [0], [0, 0, 1, 0], [], []>, transpose_lhs_hint = false} : vector<512x64xf32>, vector<512x64xf32>, vector<512x512xf32> -> vector<512x512xf32>
      %exp3A_499 = math.exp %dot_general3A_498 : vector<512x512xf32>
      %reduce_sum3A_500 = arith.constant dense<0.000000e+00> : vector<512xf32>
      %reduce_sum3A_501 = vector.multi_reduction <add>, %exp3A_499, %reduce_sum3A_500 [1] : vector<512x512xf32> to vector<512xf32>
      %broadcast_in_dim3A_502 = vector.shape_cast %reduce_sum3A_501 : vector<512xf32> to vector<512x1xf32>
      %add3A_503 = arith.addf %while3A_393, %broadcast_in_dim3A_502 : vector<512x1xf32>
      %dot_general3A_504 = arith.constant dense<0.000000e+00> : vector<512x64xf32>
      %dot_general3A_505 = tpu.matmul %exp3A_499, %slice3A_476, %dot_general3A_504 {dimension_numbers = #tpu.dot_dimension_numbers<[1], [0], [0], [1], [0, 0, 1, 1], [], []>, transpose_lhs_hint = false} : vector<512x512xf32>, vector<512x64xf32>, vector<512x64xf32> -> vector<512x64xf32>
      %add3A_506 = arith.addf %while3A_409, %dot_general3A_505 : vector<512x64xf32>
      %dot_general3A_507 = arith.constant dense<0.000000e+00> : vector<512x512xf32>
      %dot_general3A_508 = tpu.matmul %concatenate3A_25, %concatenate3A_475, %dot_general3A_507 {dimension_numbers = #tpu.dot_dimension_numbers<[1], [1], [0], [0], [0, 0, 1, 0], [], []>, transpose_lhs_hint = false} : vector<512x64xf32>, vector<512x64xf32>, vector<512x512xf32> -> vector<512x512xf32>
      %exp3A_509 = math.exp %dot_general3A_508 : vector<512x512xf32>
      %reduce_sum3A_510 = arith.constant dense<0.000000e+00> : vector<512xf32>
      %reduce_sum3A_511 = vector.multi_reduction <add>, %exp3A_509, %reduce_sum3A_510 [1] : vector<512x512xf32> to vector<512xf32>
      %broadcast_in_dim3A_512 = vector.shape_cast %reduce_sum3A_511 : vector<512xf32> to vector<512x1xf32>
      %add3A_513 = arith.addf %while3A_394, %broadcast_in_dim3A_512 : vector<512x1xf32>
      %dot_general3A_514 = arith.constant dense<0.000000e+00> : vector<512x64xf32>
      %dot_general3A_515 = tpu.matmul %exp3A_509, %slice3A_476, %dot_general3A_514 {dimension_numbers = #tpu.dot_dimension_numbers<[1], [0], [0], [1], [0, 0, 1, 1], [], []>, transpose_lhs_hint = false} : vector<512x512xf32>, vector<512x64xf32>, vector<512x64xf32> -> vector<512x64xf32>
      %add3A_516 = arith.addf %while3A_410, %dot_general3A_515 : vector<512x64xf32>
      %slice3A_517 = vector.extract_strided_slice %get3A_423 {offsets = [0, 64], sizes = [512, 32], strides = [1, 1]} : vector<512x256xf32> to vector<512x32xf32>
      %slice3A_518 = vector.extract_strided_slice %get3A_423 {offsets = [0, 192], sizes = [512, 32], strides = [1, 1]} : vector<512x256xf32> to vector<512x32xf32>
      %concatenate3A_519 = tpu.concatenate %slice3A_517, %slice3A_518 in 1 : vector<512x32xf32>, vector<512x32xf32> -> vector<512x64xf32>
      %slice3A_520 = vector.extract_strided_slice %get3A_428 {offsets = [0, 128], sizes = [512, 64], strides = [1, 1]} : vector<512x256xf32> to vector<512x64xf32>
      %dot_general3A_521 = arith.constant dense<0.000000e+00> : vector<512x512xf32>
      %dot_general3A_522 = tpu.matmul %concatenate3A_28, %concatenate3A_519, %dot_general3A_521 {dimension_numbers = #tpu.dot_dimension_numbers<[1], [1], [0], [0], [0, 0, 1, 0], [], []>, transpose_lhs_hint = false} : vector<512x64xf32>, vector<512x64xf32>, vector<512x512xf32> -> vector<512x512xf32>
      %exp3A_523 = math.exp %dot_general3A_522 : vector<512x512xf32>
      %reduce_sum3A_524 = arith.constant dense<0.000000e+00> : vector<512xf32>
      %reduce_sum3A_525 = vector.multi_reduction <add>, %exp3A_523, %reduce_sum3A_524 [1] : vector<512x512xf32> to vector<512xf32>
      %broadcast_in_dim3A_526 = vector.shape_cast %reduce_sum3A_525 : vector<512xf32> to vector<512x1xf32>
      %add3A_527 = arith.addf %while3A_395, %broadcast_in_dim3A_526 : vector<512x1xf32>
      %dot_general3A_528 = arith.constant dense<0.000000e+00> : vector<512x64xf32>
      %dot_general3A_529 = tpu.matmul %exp3A_523, %slice3A_520, %dot_general3A_528 {dimension_numbers = #tpu.dot_dimension_numbers<[1], [0], [0], [1], [0, 0, 1, 1], [], []>, transpose_lhs_hint = false} : vector<512x512xf32>, vector<512x64xf32>, vector<512x64xf32> -> vector<512x64xf32>
      %add3A_530 = arith.addf %while3A_411, %dot_general3A_529 : vector<512x64xf32>
      %dot_general3A_531 = arith.constant dense<0.000000e+00> : vector<512x512xf32>
      %dot_general3A_532 = tpu.matmul %concatenate3A_31, %concatenate3A_519, %dot_general3A_531 {dimension_numbers = #tpu.dot_dimension_numbers<[1], [1], [0], [0], [0, 0, 1, 0], [], []>, transpose_lhs_hint = false} : vector<512x64xf32>, vector<512x64xf32>, vector<512x512xf32> -> vector<512x512xf32>
      %exp3A_533 = math.exp %dot_general3A_532 : vector<512x512xf32>
      %reduce_sum3A_534 = arith.constant dense<0.000000e+00> : vector<512xf32>
      %reduce_sum3A_535 = vector.multi_reduction <add>, %exp3A_533, %reduce_sum3A_534 [1] : vector<512x512xf32> to vector<512xf32>
      %broadcast_in_dim3A_536 = vector.shape_cast %reduce_sum3A_535 : vector<512xf32> to vector<512x1xf32>
      %add3A_537 = arith.addf %while3A_396, %broadcast_in_dim3A_536 : vector<512x1xf32>
      %dot_general3A_538 = arith.constant dense<0.000000e+00> : vector<512x64xf32>
      %dot_general3A_539 = tpu.matmul %exp3A_533, %slice3A_520, %dot_general3A_538 {dimension_numbers = #tpu.dot_dimension_numbers<[1], [0], [0], [1], [0, 0, 1, 1], [], []>, transpose_lhs_hint = false} : vector<512x512xf32>, vector<512x64xf32>, vector<512x64xf32> -> vector<512x64xf32>
      %add3A_540 = arith.addf %while3A_412, %dot_general3A_539 : vector<512x64xf32>
      %dot_general3A_541 = arith.constant dense<0.000000e+00> : vector<512x512xf32>
      %dot_general3A_542 = tpu.matmul %concatenate3A_34, %concatenate3A_519, %dot_general3A_541 {dimension_numbers = #tpu.dot_dimension_numbers<[1], [1], [0], [0], [0, 0, 1, 0], [], []>, transpose_lhs_hint = false} : vector<512x64xf32>, vector<512x64xf32>, vector<512x512xf32> -> vector<512x512xf32>
      %exp3A_543 = math.exp %dot_general3A_542 : vector<512x512xf32>
      %reduce_sum3A_544 = arith.constant dense<0.000000e+00> : vector<512xf32>
      %reduce_sum3A_545 = vector.multi_reduction <add>, %exp3A_543, %reduce_sum3A_544 [1] : vector<512x512xf32> to vector<512xf32>
      %broadcast_in_dim3A_546 = vector.shape_cast %reduce_sum3A_545 : vector<512xf32> to vector<512x1xf32>
      %add3A_547 = arith.addf %while3A_397, %broadcast_in_dim3A_546 : vector<512x1xf32>
      %dot_general3A_548 = arith.constant dense<0.000000e+00> : vector<512x64xf32>
      %dot_general3A_549 = tpu.matmul %exp3A_543, %slice3A_520, %dot_general3A_548 {dimension_numbers = #tpu.dot_dimension_numbers<[1], [0], [0], [1], [0, 0, 1, 1], [], []>, transpose_lhs_hint = false} : vector<512x512xf32>, vector<512x64xf32>, vector<512x64xf32> -> vector<512x64xf32>
      %add3A_550 = arith.addf %while3A_413, %dot_general3A_549 : vector<512x64xf32>
      %dot_general3A_551 = arith.constant dense<0.000000e+00> : vector<512x512xf32>
      %dot_general3A_552 = tpu.matmul %concatenate3A_37, %concatenate3A_519, %dot_general3A_551 {dimension_numbers = #tpu.dot_dimension_numbers<[1], [1], [0], [0], [0, 0, 1, 0], [], []>, transpose_lhs_hint = false} : vector<512x64xf32>, vector<512x64xf32>, vector<512x512xf32> -> vector<512x512xf32>
      %exp3A_553 = math.exp %dot_general3A_552 : vector<512x512xf32>
      %reduce_sum3A_554 = arith.constant dense<0.000000e+00> : vector<512xf32>
      %reduce_sum3A_555 = vector.multi_reduction <add>, %exp3A_553, %reduce_sum3A_554 [1] : vector<512x512xf32> to vector<512xf32>
      %broadcast_in_dim3A_556 = vector.shape_cast %reduce_sum3A_555 : vector<512xf32> to vector<512x1xf32>
      %add3A_557 = arith.addf %while3A_398, %broadcast_in_dim3A_556 : vector<512x1xf32>
      %dot_general3A_558 = arith.constant dense<0.000000e+00> : vector<512x64xf32>
      %dot_general3A_559 = tpu.matmul %exp3A_553, %slice3A_520, %dot_general3A_558 {dimension_numbers = #tpu.dot_dimension_numbers<[1], [0], [0], [1], [0, 0, 1, 1], [], []>, transpose_lhs_hint = false} : vector<512x512xf32>, vector<512x64xf32>, vector<512x64xf32> -> vector<512x64xf32>
      %add3A_560 = arith.addf %while3A_414, %dot_general3A_559 : vector<512x64xf32>
      %slice3A_561 = vector.extract_strided_slice %get3A_423 {offsets = [0, 96], sizes = [512, 32], strides = [1, 1]} : vector<512x256xf32> to vector<512x32xf32>
      %slice3A_562 = vector.extract_strided_slice %get3A_423 {offsets = [0, 224], sizes = [512, 32], strides = [1, 1]} : vector<512x256xf32> to vector<512x32xf32>
      %concatenate3A_563 = tpu.concatenate %slice3A_561, %slice3A_562 in 1 : vector<512x32xf32>, vector<512x32xf32> -> vector<512x64xf32>
      %slice3A_564 = vector.extract_strided_slice %get3A_428 {offsets = [0, 192], sizes = [512, 64], strides = [1, 1]} : vector<512x256xf32> to vector<512x64xf32>
      %dot_general3A_565 = arith.constant dense<0.000000e+00> : vector<512x512xf32>
      %dot_general3A_566 = tpu.matmul %concatenate3A_40, %concatenate3A_563, %dot_general3A_565 {dimension_numbers = #tpu.dot_dimension_numbers<[1], [1], [0], [0], [0, 0, 1, 0], [], []>, transpose_lhs_hint = false} : vector<512x64xf32>, vector<512x64xf32>, vector<512x512xf32> -> vector<512x512xf32>
      %exp3A_567 = math.exp %dot_general3A_566 : vector<512x512xf32>
      %reduce_sum3A_568 = arith.constant dense<0.000000e+00> : vector<512xf32>
      %reduce_sum3A_569 = vector.multi_reduction <add>, %exp3A_567, %reduce_sum3A_568 [1] : vector<512x512xf32> to vector<512xf32>
      %broadcast_in_dim3A_570 = vector.shape_cast %reduce_sum3A_569 : vector<512xf32> to vector<512x1xf32>
      %add3A_571 = arith.addf %while3A_399, %broadcast_in_dim3A_570 : vector<512x1xf32>
      %dot_general3A_572 = arith.constant dense<0.000000e+00> : vector<512x64xf32>
      %dot_general3A_573 = tpu.matmul %exp3A_567, %slice3A_564, %dot_general3A_572 {dimension_numbers = #tpu.dot_dimension_numbers<[1], [0], [0], [1], [0, 0, 1, 1], [], []>, transpose_lhs_hint = false} : vector<512x512xf32>, vector<512x64xf32>, vector<512x64xf32> -> vector<512x64xf32>
      %add3A_574 = arith.addf %while3A_415, %dot_general3A_573 : vector<512x64xf32>
      %dot_general3A_575 = arith.constant dense<0.000000e+00> : vector<512x512xf32>
      %dot_general3A_576 = tpu.matmul %concatenate3A_43, %concatenate3A_563, %dot_general3A_575 {dimension_numbers = #tpu.dot_dimension_numbers<[1], [1], [0], [0], [0, 0, 1, 0], [], []>, transpose_lhs_hint = false} : vector<512x64xf32>, vector<512x64xf32>, vector<512x512xf32> -> vector<512x512xf32>
      %exp3A_577 = math.exp %dot_general3A_576 : vector<512x512xf32>
      %reduce_sum3A_578 = arith.constant dense<0.000000e+00> : vector<512xf32>
      %reduce_sum3A_579 = vector.multi_reduction <add>, %exp3A_577, %reduce_sum3A_578 [1] : vector<512x512xf32> to vector<512xf32>
      %broadcast_in_dim3A_580 = vector.shape_cast %reduce_sum3A_579 : vector<512xf32> to vector<512x1xf32>
      %add3A_581 = arith.addf %while3A_400, %broadcast_in_dim3A_580 : vector<512x1xf32>
      %dot_general3A_582 = arith.constant dense<0.000000e+00> : vector<512x64xf32>
      %dot_general3A_583 = tpu.matmul %exp3A_577, %slice3A_564, %dot_general3A_582 {dimension_numbers = #tpu.dot_dimension_numbers<[1], [0], [0], [1], [0, 0, 1, 1], [], []>, transpose_lhs_hint = false} : vector<512x512xf32>, vector<512x64xf32>, vector<512x64xf32> -> vector<512x64xf32>
      %add3A_584 = arith.addf %while3A_416, %dot_general3A_583 : vector<512x64xf32>
      %dot_general3A_585 = arith.constant dense<0.000000e+00> : vector<512x512xf32>
      %dot_general3A_586 = tpu.matmul %concatenate3A_46, %concatenate3A_563, %dot_general3A_585 {dimension_numbers = #tpu.dot_dimension_numbers<[1], [1], [0], [0], [0, 0, 1, 0], [], []>, transpose_lhs_hint = false} : vector<512x64xf32>, vector<512x64xf32>, vector<512x512xf32> -> vector<512x512xf32>
      %exp3A_587 = math.exp %dot_general3A_586 : vector<512x512xf32>
      %reduce_sum3A_588 = arith.constant dense<0.000000e+00> : vector<512xf32>
      %reduce_sum3A_589 = vector.multi_reduction <add>, %exp3A_587, %reduce_sum3A_588 [1] : vector<512x512xf32> to vector<512xf32>
      %broadcast_in_dim3A_590 = vector.shape_cast %reduce_sum3A_589 : vector<512xf32> to vector<512x1xf32>
      %add3A_591 = arith.addf %while3A_401, %broadcast_in_dim3A_590 : vector<512x1xf32>
      %dot_general3A_592 = arith.constant dense<0.000000e+00> : vector<512x64xf32>
      %dot_general3A_593 = tpu.matmul %exp3A_587, %slice3A_564, %dot_general3A_592 {dimension_numbers = #tpu.dot_dimension_numbers<[1], [0], [0], [1], [0, 0, 1, 1], [], []>, transpose_lhs_hint = false} : vector<512x512xf32>, vector<512x64xf32>, vector<512x64xf32> -> vector<512x64xf32>
      %add3A_594 = arith.addf %while3A_417, %dot_general3A_593 : vector<512x64xf32>
      %dot_general3A_595 = arith.constant dense<0.000000e+00> : vector<512x512xf32>
      %dot_general3A_596 = tpu.matmul %concatenate3A_49, %concatenate3A_563, %dot_general3A_595 {dimension_numbers = #tpu.dot_dimension_numbers<[1], [1], [0], [0], [0, 0, 1, 0], [], []>, transpose_lhs_hint = false} : vector<512x64xf32>, vector<512x64xf32>, vector<512x512xf32> -> vector<512x512xf32>
      %exp3A_597 = math.exp %dot_general3A_596 : vector<512x512xf32>
      %reduce_sum3A_598 = arith.constant dense<0.000000e+00> : vector<512xf32>
      %reduce_sum3A_599 = vector.multi_reduction <add>, %exp3A_597, %reduce_sum3A_598 [1] : vector<512x512xf32> to vector<512xf32>
      %broadcast_in_dim3A_600 = vector.shape_cast %reduce_sum3A_599 : vector<512xf32> to vector<512x1xf32>
      %add3A_601 = arith.addf %while3A_402, %broadcast_in_dim3A_600 : vector<512x1xf32>
      %dot_general3A_602 = arith.constant dense<0.000000e+00> : vector<512x64xf32>
      %dot_general3A_603 = tpu.matmul %exp3A_597, %slice3A_564, %dot_general3A_602 {dimension_numbers = #tpu.dot_dimension_numbers<[1], [0], [0], [1], [0, 0, 1, 1], [], []>, transpose_lhs_hint = false} : vector<512x512xf32>, vector<512x64xf32>, vector<512x64xf32> -> vector<512x64xf32>
      %add3A_604 = arith.addf %while3A_418, %dot_general3A_603 : vector<512x64xf32>
      scf.yield %add3A_439, %add3A_449, %add3A_459, %add3A_469, %add3A_483, %add3A_493, %add3A_503, %add3A_513, %add3A_527, %add3A_537, %add3A_547, %add3A_557, %add3A_571, %add3A_581, %add3A_591, %add3A_601, %add3A_442, %add3A_452, %add3A_462, %add3A_472, %add3A_486, %add3A_496, %add3A_506, %add3A_516, %add3A_530, %add3A_540, %add3A_550, %add3A_560, %add3A_574, %add3A_584, %add3A_594, %add3A_604 : vector<512x1xf32>, vector<512x1xf32>, vector<512x1xf32>, vector<512x1xf32>, vector<512x1xf32>, vector<512x1xf32>, vector<512x1xf32>, vector<512x1xf32>, vector<512x1xf32>, vector<512x1xf32>, vector<512x1xf32>, vector<512x1xf32>, vector<512x1xf32>, vector<512x1xf32>, vector<512x1xf32>, vector<512x1xf32>, vector<512x64xf32>, vector<512x64xf32>, vector<512x64xf32>, vector<512x64xf32>, vector<512x64xf32>, vector<512x64xf32>, vector<512x64xf32>, vector<512x64xf32>, vector<512x64xf32>, vector<512x64xf32>, vector<512x64xf32>, vector<512x64xf32>, vector<512x64xf32>, vector<512x64xf32>, vector<512x64xf32>, vector<512x64xf32>
    }
    %mul3A_123 = arith.constant 512 : i32
    %mul3A_124 = arith.muli %arg0, %mul3A_123 : i32
    %get3A_125 = arith.index_cast %mul3A_124 : i32 to index
    %get3A_126 = arith.constant 0 : index
    %get3A_127 = vector.load %arg2[%get3A_125, %get3A_126] : memref<2048x256xf32, #tpu.memory_space<vmem>>, vector<512x256xf32>
    %mul3A_128 = arith.constant 512 : i32
    %mul3A_129 = arith.muli %arg0, %mul3A_128 : i32
    %get3A_130 = arith.index_cast %mul3A_129 : i32 to index
    %get3A_131 = arith.constant 0 : index
    %get3A_132 = vector.load %arg3[%get3A_130, %get3A_131] : memref<2048x256xf32, #tpu.memory_space<vmem>>, vector<512x256xf32>
    %iota3A = tpu.iota {dimensions = array<i32: 0>} : vector<512x512xi32>
    %iota3A_133 = tpu.iota {dimensions = array<i32: 1>} : vector<512x512xi32>
    %le3A = arith.cmpi sle, %iota3A_133, %iota3A : vector<512x512xi32>
    %slice3A_134 = vector.extract_strided_slice %get3A_127 {offsets = [0, 0], sizes = [512, 32], strides = [1, 1]} : vector<512x256xf32> to vector<512x32xf32>
    %slice3A_135 = vector.extract_strided_slice %get3A_127 {offsets = [0, 128], sizes = [512, 32], strides = [1, 1]} : vector<512x256xf32> to vector<512x32xf32>
    %concatenate3A_136 = tpu.concatenate %slice3A_134, %slice3A_135 in 1 : vector<512x32xf32>, vector<512x32xf32> -> vector<512x64xf32>
    %slice3A_137 = vector.extract_strided_slice %get3A_132 {offsets = [0, 0], sizes = [512, 64], strides = [1, 1]} : vector<512x256xf32> to vector<512x64xf32>
    %dot_general3A = arith.constant dense<0.000000e+00> : vector<512x512xf32>
    %dot_general3A_138 = tpu.matmul %concatenate3A, %concatenate3A_136, %dot_general3A {dimension_numbers = #tpu.dot_dimension_numbers<[1], [1], [0], [0], [0, 0, 1, 0], [], []>, transpose_lhs_hint = false} : vector<512x64xf32>, vector<512x64xf32>, vector<512x512xf32> -> vector<512x512xf32>
    %exp3A = math.exp %dot_general3A_138 : vector<512x512xf32>
    %jit3A = arith.constant 0.000000e+00 : f32
    %broadcast_in_dim3A_139 = vector.broadcast %jit3A : f32 to vector<512x512xf32>
    %select_n3A = arith.select %le3A, %exp3A, %broadcast_in_dim3A_139 : vector<512x512xi1>, vector<512x512xf32>
    %reduce_sum3A = arith.constant dense<0.000000e+00> : vector<512xf32>
    %reduce_sum3A_140 = vector.multi_reduction <add>, %select_n3A, %reduce_sum3A [1] : vector<512x512xf32> to vector<512xf32>
    %broadcast_in_dim3A_141 = vector.shape_cast %reduce_sum3A_140 : vector<512xf32> to vector<512x1xf32>
    %add3A = arith.addf %while3A_122#0, %broadcast_in_dim3A_141 : vector<512x1xf32>
    %dot_general3A_142 = arith.constant dense<0.000000e+00> : vector<512x64xf32>
    %dot_general3A_143 = tpu.matmul %select_n3A, %slice3A_137, %dot_general3A_142 {dimension_numbers = #tpu.dot_dimension_numbers<[1], [0], [0], [1], [0, 0, 1, 1], [], []>, transpose_lhs_hint = false} : vector<512x512xf32>, vector<512x64xf32>, vector<512x64xf32> -> vector<512x64xf32>
    %add3A_144 = arith.addf %while3A_122#16, %dot_general3A_143 : vector<512x64xf32>
    %dot_general3A_145 = arith.constant dense<0.000000e+00> : vector<512x512xf32>
    %dot_general3A_146 = tpu.matmul %concatenate3A_7, %concatenate3A_136, %dot_general3A_145 {dimension_numbers = #tpu.dot_dimension_numbers<[1], [1], [0], [0], [0, 0, 1, 0], [], []>, transpose_lhs_hint = false} : vector<512x64xf32>, vector<512x64xf32>, vector<512x512xf32> -> vector<512x512xf32>
    %exp3A_147 = math.exp %dot_general3A_146 : vector<512x512xf32>
    %jit3A_148 = arith.constant 0.000000e+00 : f32
    %broadcast_in_dim3A_149 = vector.broadcast %jit3A_148 : f32 to vector<512x512xf32>
    %select_n3A_150 = arith.select %le3A, %exp3A_147, %broadcast_in_dim3A_149 : vector<512x512xi1>, vector<512x512xf32>
    %reduce_sum3A_151 = arith.constant dense<0.000000e+00> : vector<512xf32>
    %reduce_sum3A_152 = vector.multi_reduction <add>, %select_n3A_150, %reduce_sum3A_151 [1] : vector<512x512xf32> to vector<512xf32>
    %broadcast_in_dim3A_153 = vector.shape_cast %reduce_sum3A_152 : vector<512xf32> to vector<512x1xf32>
    %add3A_154 = arith.addf %while3A_122#1, %broadcast_in_dim3A_153 : vector<512x1xf32>
    %dot_general3A_155 = arith.constant dense<0.000000e+00> : vector<512x64xf32>
    %dot_general3A_156 = tpu.matmul %select_n3A_150, %slice3A_137, %dot_general3A_155 {dimension_numbers = #tpu.dot_dimension_numbers<[1], [0], [0], [1], [0, 0, 1, 1], [], []>, transpose_lhs_hint = false} : vector<512x512xf32>, vector<512x64xf32>, vector<512x64xf32> -> vector<512x64xf32>
    %add3A_157 = arith.addf %while3A_122#17, %dot_general3A_156 : vector<512x64xf32>
    %dot_general3A_158 = arith.constant dense<0.000000e+00> : vector<512x512xf32>
    %dot_general3A_159 = tpu.matmul %concatenate3A_10, %concatenate3A_136, %dot_general3A_158 {dimension_numbers = #tpu.dot_dimension_numbers<[1], [1], [0], [0], [0, 0, 1, 0], [], []>, transpose_lhs_hint = false} : vector<512x64xf32>, vector<512x64xf32>, vector<512x512xf32> -> vector<512x512xf32>
    %exp3A_160 = math.exp %dot_general3A_159 : vector<512x512xf32>
    %jit3A_161 = arith.constant 0.000000e+00 : f32
    %broadcast_in_dim3A_162 = vector.broadcast %jit3A_161 : f32 to vector<512x512xf32>
    %select_n3A_163 = arith.select %le3A, %exp3A_160, %broadcast_in_dim3A_162 : vector<512x512xi1>, vector<512x512xf32>
    %reduce_sum3A_164 = arith.constant dense<0.000000e+00> : vector<512xf32>
    %reduce_sum3A_165 = vector.multi_reduction <add>, %select_n3A_163, %reduce_sum3A_164 [1] : vector<512x512xf32> to vector<512xf32>
    %broadcast_in_dim3A_166 = vector.shape_cast %reduce_sum3A_165 : vector<512xf32> to vector<512x1xf32>
    %add3A_167 = arith.addf %while3A_122#2, %broadcast_in_dim3A_166 : vector<512x1xf32>
    %dot_general3A_168 = arith.constant dense<0.000000e+00> : vector<512x64xf32>
    %dot_general3A_169 = tpu.matmul %select_n3A_163, %slice3A_137, %dot_general3A_168 {dimension_numbers = #tpu.dot_dimension_numbers<[1], [0], [0], [1], [0, 0, 1, 1], [], []>, transpose_lhs_hint = false} : vector<512x512xf32>, vector<512x64xf32>, vector<512x64xf32> -> vector<512x64xf32>
    %add3A_170 = arith.addf %while3A_122#18, %dot_general3A_169 : vector<512x64xf32>
    %dot_general3A_171 = arith.constant dense<0.000000e+00> : vector<512x512xf32>
    %dot_general3A_172 = tpu.matmul %concatenate3A_13, %concatenate3A_136, %dot_general3A_171 {dimension_numbers = #tpu.dot_dimension_numbers<[1], [1], [0], [0], [0, 0, 1, 0], [], []>, transpose_lhs_hint = false} : vector<512x64xf32>, vector<512x64xf32>, vector<512x512xf32> -> vector<512x512xf32>
    %exp3A_173 = math.exp %dot_general3A_172 : vector<512x512xf32>
    %jit3A_174 = arith.constant 0.000000e+00 : f32
    %broadcast_in_dim3A_175 = vector.broadcast %jit3A_174 : f32 to vector<512x512xf32>
    %select_n3A_176 = arith.select %le3A, %exp3A_173, %broadcast_in_dim3A_175 : vector<512x512xi1>, vector<512x512xf32>
    %reduce_sum3A_177 = arith.constant dense<0.000000e+00> : vector<512xf32>
    %reduce_sum3A_178 = vector.multi_reduction <add>, %select_n3A_176, %reduce_sum3A_177 [1] : vector<512x512xf32> to vector<512xf32>
    %broadcast_in_dim3A_179 = vector.shape_cast %reduce_sum3A_178 : vector<512xf32> to vector<512x1xf32>
    %add3A_180 = arith.addf %while3A_122#3, %broadcast_in_dim3A_179 : vector<512x1xf32>
    %dot_general3A_181 = arith.constant dense<0.000000e+00> : vector<512x64xf32>
    %dot_general3A_182 = tpu.matmul %select_n3A_176, %slice3A_137, %dot_general3A_181 {dimension_numbers = #tpu.dot_dimension_numbers<[1], [0], [0], [1], [0, 0, 1, 1], [], []>, transpose_lhs_hint = false} : vector<512x512xf32>, vector<512x64xf32>, vector<512x64xf32> -> vector<512x64xf32>
    %add3A_183 = arith.addf %while3A_122#19, %dot_general3A_182 : vector<512x64xf32>
    %slice3A_184 = vector.extract_strided_slice %get3A_127 {offsets = [0, 32], sizes = [512, 32], strides = [1, 1]} : vector<512x256xf32> to vector<512x32xf32>
    %slice3A_185 = vector.extract_strided_slice %get3A_127 {offsets = [0, 160], sizes = [512, 32], strides = [1, 1]} : vector<512x256xf32> to vector<512x32xf32>
    %concatenate3A_186 = tpu.concatenate %slice3A_184, %slice3A_185 in 1 : vector<512x32xf32>, vector<512x32xf32> -> vector<512x64xf32>
    %slice3A_187 = vector.extract_strided_slice %get3A_132 {offsets = [0, 64], sizes = [512, 64], strides = [1, 1]} : vector<512x256xf32> to vector<512x64xf32>
    %dot_general3A_188 = arith.constant dense<0.000000e+00> : vector<512x512xf32>
    %dot_general3A_189 = tpu.matmul %concatenate3A_16, %concatenate3A_186, %dot_general3A_188 {dimension_numbers = #tpu.dot_dimension_numbers<[1], [1], [0], [0], [0, 0, 1, 0], [], []>, transpose_lhs_hint = false} : vector<512x64xf32>, vector<512x64xf32>, vector<512x512xf32> -> vector<512x512xf32>
    %exp3A_190 = math.exp %dot_general3A_189 : vector<512x512xf32>
    %jit3A_191 = arith.constant 0.000000e+00 : f32
    %broadcast_in_dim3A_192 = vector.broadcast %jit3A_191 : f32 to vector<512x512xf32>
    %select_n3A_193 = arith.select %le3A, %exp3A_190, %broadcast_in_dim3A_192 : vector<512x512xi1>, vector<512x512xf32>
    %reduce_sum3A_194 = arith.constant dense<0.000000e+00> : vector<512xf32>
    %reduce_sum3A_195 = vector.multi_reduction <add>, %select_n3A_193, %reduce_sum3A_194 [1] : vector<512x512xf32> to vector<512xf32>
    %broadcast_in_dim3A_196 = vector.shape_cast %reduce_sum3A_195 : vector<512xf32> to vector<512x1xf32>
    %add3A_197 = arith.addf %while3A_122#4, %broadcast_in_dim3A_196 : vector<512x1xf32>
    %dot_general3A_198 = arith.constant dense<0.000000e+00> : vector<512x64xf32>
    %dot_general3A_199 = tpu.matmul %select_n3A_193, %slice3A_187, %dot_general3A_198 {dimension_numbers = #tpu.dot_dimension_numbers<[1], [0], [0], [1], [0, 0, 1, 1], [], []>, transpose_lhs_hint = false} : vector<512x512xf32>, vector<512x64xf32>, vector<512x64xf32> -> vector<512x64xf32>
    %add3A_200 = arith.addf %while3A_122#20, %dot_general3A_199 : vector<512x64xf32>
    %dot_general3A_201 = arith.constant dense<0.000000e+00> : vector<512x512xf32>
    %dot_general3A_202 = tpu.matmul %concatenate3A_19, %concatenate3A_186, %dot_general3A_201 {dimension_numbers = #tpu.dot_dimension_numbers<[1], [1], [0], [0], [0, 0, 1, 0], [], []>, transpose_lhs_hint = false} : vector<512x64xf32>, vector<512x64xf32>, vector<512x512xf32> -> vector<512x512xf32>
    %exp3A_203 = math.exp %dot_general3A_202 : vector<512x512xf32>
    %jit3A_204 = arith.constant 0.000000e+00 : f32
    %broadcast_in_dim3A_205 = vector.broadcast %jit3A_204 : f32 to vector<512x512xf32>
    %select_n3A_206 = arith.select %le3A, %exp3A_203, %broadcast_in_dim3A_205 : vector<512x512xi1>, vector<512x512xf32>
    %reduce_sum3A_207 = arith.constant dense<0.000000e+00> : vector<512xf32>
    %reduce_sum3A_208 = vector.multi_reduction <add>, %select_n3A_206, %reduce_sum3A_207 [1] : vector<512x512xf32> to vector<512xf32>
    %broadcast_in_dim3A_209 = vector.shape_cast %reduce_sum3A_208 : vector<512xf32> to vector<512x1xf32>
    %add3A_210 = arith.addf %while3A_122#5, %broadcast_in_dim3A_209 : vector<512x1xf32>
    %dot_general3A_211 = arith.constant dense<0.000000e+00> : vector<512x64xf32>
    %dot_general3A_212 = tpu.matmul %select_n3A_206, %slice3A_187, %dot_general3A_211 {dimension_numbers = #tpu.dot_dimension_numbers<[1], [0], [0], [1], [0, 0, 1, 1], [], []>, transpose_lhs_hint = false} : vector<512x512xf32>, vector<512x64xf32>, vector<512x64xf32> -> vector<512x64xf32>
    %add3A_213 = arith.addf %while3A_122#21, %dot_general3A_212 : vector<512x64xf32>
    %dot_general3A_214 = arith.constant dense<0.000000e+00> : vector<512x512xf32>
    %dot_general3A_215 = tpu.matmul %concatenate3A_22, %concatenate3A_186, %dot_general3A_214 {dimension_numbers = #tpu.dot_dimension_numbers<[1], [1], [0], [0], [0, 0, 1, 0], [], []>, transpose_lhs_hint = false} : vector<512x64xf32>, vector<512x64xf32>, vector<512x512xf32> -> vector<512x512xf32>
    %exp3A_216 = math.exp %dot_general3A_215 : vector<512x512xf32>
    %jit3A_217 = arith.constant 0.000000e+00 : f32
    %broadcast_in_dim3A_218 = vector.broadcast %jit3A_217 : f32 to vector<512x512xf32>
    %select_n3A_219 = arith.select %le3A, %exp3A_216, %broadcast_in_dim3A_218 : vector<512x512xi1>, vector<512x512xf32>
    %reduce_sum3A_220 = arith.constant dense<0.000000e+00> : vector<512xf32>
    %reduce_sum3A_221 = vector.multi_reduction <add>, %select_n3A_219, %reduce_sum3A_220 [1] : vector<512x512xf32> to vector<512xf32>
    %broadcast_in_dim3A_222 = vector.shape_cast %reduce_sum3A_221 : vector<512xf32> to vector<512x1xf32>
    %add3A_223 = arith.addf %while3A_122#6, %broadcast_in_dim3A_222 : vector<512x1xf32>
    %dot_general3A_224 = arith.constant dense<0.000000e+00> : vector<512x64xf32>
    %dot_general3A_225 = tpu.matmul %select_n3A_219, %slice3A_187, %dot_general3A_224 {dimension_numbers = #tpu.dot_dimension_numbers<[1], [0], [0], [1], [0, 0, 1, 1], [], []>, transpose_lhs_hint = false} : vector<512x512xf32>, vector<512x64xf32>, vector<512x64xf32> -> vector<512x64xf32>
    %add3A_226 = arith.addf %while3A_122#22, %dot_general3A_225 : vector<512x64xf32>
    %dot_general3A_227 = arith.constant dense<0.000000e+00> : vector<512x512xf32>
    %dot_general3A_228 = tpu.matmul %concatenate3A_25, %concatenate3A_186, %dot_general3A_227 {dimension_numbers = #tpu.dot_dimension_numbers<[1], [1], [0], [0], [0, 0, 1, 0], [], []>, transpose_lhs_hint = false} : vector<512x64xf32>, vector<512x64xf32>, vector<512x512xf32> -> vector<512x512xf32>
    %exp3A_229 = math.exp %dot_general3A_228 : vector<512x512xf32>
    %jit3A_230 = arith.constant 0.000000e+00 : f32
    %broadcast_in_dim3A_231 = vector.broadcast %jit3A_230 : f32 to vector<512x512xf32>
    %select_n3A_232 = arith.select %le3A, %exp3A_229, %broadcast_in_dim3A_231 : vector<512x512xi1>, vector<512x512xf32>
    %reduce_sum3A_233 = arith.constant dense<0.000000e+00> : vector<512xf32>
    %reduce_sum3A_234 = vector.multi_reduction <add>, %select_n3A_232, %reduce_sum3A_233 [1] : vector<512x512xf32> to vector<512xf32>
    %broadcast_in_dim3A_235 = vector.shape_cast %reduce_sum3A_234 : vector<512xf32> to vector<512x1xf32>
    %add3A_236 = arith.addf %while3A_122#7, %broadcast_in_dim3A_235 : vector<512x1xf32>
    %dot_general3A_237 = arith.constant dense<0.000000e+00> : vector<512x64xf32>
    %dot_general3A_238 = tpu.matmul %select_n3A_232, %slice3A_187, %dot_general3A_237 {dimension_numbers = #tpu.dot_dimension_numbers<[1], [0], [0], [1], [0, 0, 1, 1], [], []>, transpose_lhs_hint = false} : vector<512x512xf32>, vector<512x64xf32>, vector<512x64xf32> -> vector<512x64xf32>
    %add3A_239 = arith.addf %while3A_122#23, %dot_general3A_238 : vector<512x64xf32>
    %slice3A_240 = vector.extract_strided_slice %get3A_127 {offsets = [0, 64], sizes = [512, 32], strides = [1, 1]} : vector<512x256xf32> to vector<512x32xf32>
    %slice3A_241 = vector.extract_strided_slice %get3A_127 {offsets = [0, 192], sizes = [512, 32], strides = [1, 1]} : vector<512x256xf32> to vector<512x32xf32>
    %concatenate3A_242 = tpu.concatenate %slice3A_240, %slice3A_241 in 1 : vector<512x32xf32>, vector<512x32xf32> -> vector<512x64xf32>
    %slice3A_243 = vector.extract_strided_slice %get3A_132 {offsets = [0, 128], sizes = [512, 64], strides = [1, 1]} : vector<512x256xf32> to vector<512x64xf32>
    %dot_general3A_244 = arith.constant dense<0.000000e+00> : vector<512x512xf32>
    %dot_general3A_245 = tpu.matmul %concatenate3A_28, %concatenate3A_242, %dot_general3A_244 {dimension_numbers = #tpu.dot_dimension_numbers<[1], [1], [0], [0], [0, 0, 1, 0], [], []>, transpose_lhs_hint = false} : vector<512x64xf32>, vector<512x64xf32>, vector<512x512xf32> -> vector<512x512xf32>
    %exp3A_246 = math.exp %dot_general3A_245 : vector<512x512xf32>
    %jit3A_247 = arith.constant 0.000000e+00 : f32
    %broadcast_in_dim3A_248 = vector.broadcast %jit3A_247 : f32 to vector<512x512xf32>
    %select_n3A_249 = arith.select %le3A, %exp3A_246, %broadcast_in_dim3A_248 : vector<512x512xi1>, vector<512x512xf32>
    %reduce_sum3A_250 = arith.constant dense<0.000000e+00> : vector<512xf32>
    %reduce_sum3A_251 = vector.multi_reduction <add>, %select_n3A_249, %reduce_sum3A_250 [1] : vector<512x512xf32> to vector<512xf32>
    %broadcast_in_dim3A_252 = vector.shape_cast %reduce_sum3A_251 : vector<512xf32> to vector<512x1xf32>
    %add3A_253 = arith.addf %while3A_122#8, %broadcast_in_dim3A_252 : vector<512x1xf32>
    %dot_general3A_254 = arith.constant dense<0.000000e+00> : vector<512x64xf32>
    %dot_general3A_255 = tpu.matmul %select_n3A_249, %slice3A_243, %dot_general3A_254 {dimension_numbers = #tpu.dot_dimension_numbers<[1], [0], [0], [1], [0, 0, 1, 1], [], []>, transpose_lhs_hint = false} : vector<512x512xf32>, vector<512x64xf32>, vector<512x64xf32> -> vector<512x64xf32>
    %add3A_256 = arith.addf %while3A_122#24, %dot_general3A_255 : vector<512x64xf32>
    %dot_general3A_257 = arith.constant dense<0.000000e+00> : vector<512x512xf32>
    %dot_general3A_258 = tpu.matmul %concatenate3A_31, %concatenate3A_242, %dot_general3A_257 {dimension_numbers = #tpu.dot_dimension_numbers<[1], [1], [0], [0], [0, 0, 1, 0], [], []>, transpose_lhs_hint = false} : vector<512x64xf32>, vector<512x64xf32>, vector<512x512xf32> -> vector<512x512xf32>
    %exp3A_259 = math.exp %dot_general3A_258 : vector<512x512xf32>
    %jit3A_260 = arith.constant 0.000000e+00 : f32
    %broadcast_in_dim3A_261 = vector.broadcast %jit3A_260 : f32 to vector<512x512xf32>
    %select_n3A_262 = arith.select %le3A, %exp3A_259, %broadcast_in_dim3A_261 : vector<512x512xi1>, vector<512x512xf32>
    %reduce_sum3A_263 = arith.constant dense<0.000000e+00> : vector<512xf32>
    %reduce_sum3A_264 = vector.multi_reduction <add>, %select_n3A_262, %reduce_sum3A_263 [1] : vector<512x512xf32> to vector<512xf32>
    %broadcast_in_dim3A_265 = vector.shape_cast %reduce_sum3A_264 : vector<512xf32> to vector<512x1xf32>
    %add3A_266 = arith.addf %while3A_122#9, %broadcast_in_dim3A_265 : vector<512x1xf32>
    %dot_general3A_267 = arith.constant dense<0.000000e+00> : vector<512x64xf32>
    %dot_general3A_268 = tpu.matmul %select_n3A_262, %slice3A_243, %dot_general3A_267 {dimension_numbers = #tpu.dot_dimension_numbers<[1], [0], [0], [1], [0, 0, 1, 1], [], []>, transpose_lhs_hint = false} : vector<512x512xf32>, vector<512x64xf32>, vector<512x64xf32> -> vector<512x64xf32>
    %add3A_269 = arith.addf %while3A_122#25, %dot_general3A_268 : vector<512x64xf32>
    %dot_general3A_270 = arith.constant dense<0.000000e+00> : vector<512x512xf32>
    %dot_general3A_271 = tpu.matmul %concatenate3A_34, %concatenate3A_242, %dot_general3A_270 {dimension_numbers = #tpu.dot_dimension_numbers<[1], [1], [0], [0], [0, 0, 1, 0], [], []>, transpose_lhs_hint = false} : vector<512x64xf32>, vector<512x64xf32>, vector<512x512xf32> -> vector<512x512xf32>
    %exp3A_272 = math.exp %dot_general3A_271 : vector<512x512xf32>
    %jit3A_273 = arith.constant 0.000000e+00 : f32
    %broadcast_in_dim3A_274 = vector.broadcast %jit3A_273 : f32 to vector<512x512xf32>
    %select_n3A_275 = arith.select %le3A, %exp3A_272, %broadcast_in_dim3A_274 : vector<512x512xi1>, vector<512x512xf32>
    %reduce_sum3A_276 = arith.constant dense<0.000000e+00> : vector<512xf32>
    %reduce_sum3A_277 = vector.multi_reduction <add>, %select_n3A_275, %reduce_sum3A_276 [1] : vector<512x512xf32> to vector<512xf32>
    %broadcast_in_dim3A_278 = vector.shape_cast %reduce_sum3A_277 : vector<512xf32> to vector<512x1xf32>
    %add3A_279 = arith.addf %while3A_122#10, %broadcast_in_dim3A_278 : vector<512x1xf32>
    %dot_general3A_280 = arith.constant dense<0.000000e+00> : vector<512x64xf32>
    %dot_general3A_281 = tpu.matmul %select_n3A_275, %slice3A_243, %dot_general3A_280 {dimension_numbers = #tpu.dot_dimension_numbers<[1], [0], [0], [1], [0, 0, 1, 1], [], []>, transpose_lhs_hint = false} : vector<512x512xf32>, vector<512x64xf32>, vector<512x64xf32> -> vector<512x64xf32>
    %add3A_282 = arith.addf %while3A_122#26, %dot_general3A_281 : vector<512x64xf32>
    %dot_general3A_283 = arith.constant dense<0.000000e+00> : vector<512x512xf32>
    %dot_general3A_284 = tpu.matmul %concatenate3A_37, %concatenate3A_242, %dot_general3A_283 {dimension_numbers = #tpu.dot_dimension_numbers<[1], [1], [0], [0], [0, 0, 1, 0], [], []>, transpose_lhs_hint = false} : vector<512x64xf32>, vector<512x64xf32>, vector<512x512xf32> -> vector<512x512xf32>
    %exp3A_285 = math.exp %dot_general3A_284 : vector<512x512xf32>
    %jit3A_286 = arith.constant 0.000000e+00 : f32
    %broadcast_in_dim3A_287 = vector.broadcast %jit3A_286 : f32 to vector<512x512xf32>
    %select_n3A_288 = arith.select %le3A, %exp3A_285, %broadcast_in_dim3A_287 : vector<512x512xi1>, vector<512x512xf32>
    %reduce_sum3A_289 = arith.constant dense<0.000000e+00> : vector<512xf32>
    %reduce_sum3A_290 = vector.multi_reduction <add>, %select_n3A_288, %reduce_sum3A_289 [1] : vector<512x512xf32> to vector<512xf32>
    %broadcast_in_dim3A_291 = vector.shape_cast %reduce_sum3A_290 : vector<512xf32> to vector<512x1xf32>
    %add3A_292 = arith.addf %while3A_122#11, %broadcast_in_dim3A_291 : vector<512x1xf32>
    %dot_general3A_293 = arith.constant dense<0.000000e+00> : vector<512x64xf32>
    %dot_general3A_294 = tpu.matmul %select_n3A_288, %slice3A_243, %dot_general3A_293 {dimension_numbers = #tpu.dot_dimension_numbers<[1], [0], [0], [1], [0, 0, 1, 1], [], []>, transpose_lhs_hint = false} : vector<512x512xf32>, vector<512x64xf32>, vector<512x64xf32> -> vector<512x64xf32>
    %add3A_295 = arith.addf %while3A_122#27, %dot_general3A_294 : vector<512x64xf32>
    %slice3A_296 = vector.extract_strided_slice %get3A_127 {offsets = [0, 96], sizes = [512, 32], strides = [1, 1]} : vector<512x256xf32> to vector<512x32xf32>
    %slice3A_297 = vector.extract_strided_slice %get3A_127 {offsets = [0, 224], sizes = [512, 32], strides = [1, 1]} : vector<512x256xf32> to vector<512x32xf32>
    %concatenate3A_298 = tpu.concatenate %slice3A_296, %slice3A_297 in 1 : vector<512x32xf32>, vector<512x32xf32> -> vector<512x64xf32>
    %slice3A_299 = vector.extract_strided_slice %get3A_132 {offsets = [0, 192], sizes = [512, 64], strides = [1, 1]} : vector<512x256xf32> to vector<512x64xf32>
    %dot_general3A_300 = arith.constant dense<0.000000e+00> : vector<512x512xf32>
    %dot_general3A_301 = tpu.matmul %concatenate3A_40, %concatenate3A_298, %dot_general3A_300 {dimension_numbers = #tpu.dot_dimension_numbers<[1], [1], [0], [0], [0, 0, 1, 0], [], []>, transpose_lhs_hint = false} : vector<512x64xf32>, vector<512x64xf32>, vector<512x512xf32> -> vector<512x512xf32>
    %exp3A_302 = math.exp %dot_general3A_301 : vector<512x512xf32>
    %jit3A_303 = arith.constant 0.000000e+00 : f32
    %broadcast_in_dim3A_304 = vector.broadcast %jit3A_303 : f32 to vector<512x512xf32>
    %select_n3A_305 = arith.select %le3A, %exp3A_302, %broadcast_in_dim3A_304 : vector<512x512xi1>, vector<512x512xf32>
    %reduce_sum3A_306 = arith.constant dense<0.000000e+00> : vector<512xf32>
    %reduce_sum3A_307 = vector.multi_reduction <add>, %select_n3A_305, %reduce_sum3A_306 [1] : vector<512x512xf32> to vector<512xf32>
    %broadcast_in_dim3A_308 = vector.shape_cast %reduce_sum3A_307 : vector<512xf32> to vector<512x1xf32>
    %add3A_309 = arith.addf %while3A_122#12, %broadcast_in_dim3A_308 : vector<512x1xf32>
    %dot_general3A_310 = arith.constant dense<0.000000e+00> : vector<512x64xf32>
    %dot_general3A_311 = tpu.matmul %select_n3A_305, %slice3A_299, %dot_general3A_310 {dimension_numbers = #tpu.dot_dimension_numbers<[1], [0], [0], [1], [0, 0, 1, 1], [], []>, transpose_lhs_hint = false} : vector<512x512xf32>, vector<512x64xf32>, vector<512x64xf32> -> vector<512x64xf32>
    %add3A_312 = arith.addf %while3A_122#28, %dot_general3A_311 : vector<512x64xf32>
    %dot_general3A_313 = arith.constant dense<0.000000e+00> : vector<512x512xf32>
    %dot_general3A_314 = tpu.matmul %concatenate3A_43, %concatenate3A_298, %dot_general3A_313 {dimension_numbers = #tpu.dot_dimension_numbers<[1], [1], [0], [0], [0, 0, 1, 0], [], []>, transpose_lhs_hint = false} : vector<512x64xf32>, vector<512x64xf32>, vector<512x512xf32> -> vector<512x512xf32>
    %exp3A_315 = math.exp %dot_general3A_314 : vector<512x512xf32>
    %jit3A_316 = arith.constant 0.000000e+00 : f32
    %broadcast_in_dim3A_317 = vector.broadcast %jit3A_316 : f32 to vector<512x512xf32>
    %select_n3A_318 = arith.select %le3A, %exp3A_315, %broadcast_in_dim3A_317 : vector<512x512xi1>, vector<512x512xf32>
    %reduce_sum3A_319 = arith.constant dense<0.000000e+00> : vector<512xf32>
    %reduce_sum3A_320 = vector.multi_reduction <add>, %select_n3A_318, %reduce_sum3A_319 [1] : vector<512x512xf32> to vector<512xf32>
    %broadcast_in_dim3A_321 = vector.shape_cast %reduce_sum3A_320 : vector<512xf32> to vector<512x1xf32>
    %add3A_322 = arith.addf %while3A_122#13, %broadcast_in_dim3A_321 : vector<512x1xf32>
    %dot_general3A_323 = arith.constant dense<0.000000e+00> : vector<512x64xf32>
    %dot_general3A_324 = tpu.matmul %select_n3A_318, %slice3A_299, %dot_general3A_323 {dimension_numbers = #tpu.dot_dimension_numbers<[1], [0], [0], [1], [0, 0, 1, 1], [], []>, transpose_lhs_hint = false} : vector<512x512xf32>, vector<512x64xf32>, vector<512x64xf32> -> vector<512x64xf32>
    %add3A_325 = arith.addf %while3A_122#29, %dot_general3A_324 : vector<512x64xf32>
    %dot_general3A_326 = arith.constant dense<0.000000e+00> : vector<512x512xf32>
    %dot_general3A_327 = tpu.matmul %concatenate3A_46, %concatenate3A_298, %dot_general3A_326 {dimension_numbers = #tpu.dot_dimension_numbers<[1], [1], [0], [0], [0, 0, 1, 0], [], []>, transpose_lhs_hint = false} : vector<512x64xf32>, vector<512x64xf32>, vector<512x512xf32> -> vector<512x512xf32>
    %exp3A_328 = math.exp %dot_general3A_327 : vector<512x512xf32>
    %jit3A_329 = arith.constant 0.000000e+00 : f32
    %broadcast_in_dim3A_330 = vector.broadcast %jit3A_329 : f32 to vector<512x512xf32>
    %select_n3A_331 = arith.select %le3A, %exp3A_328, %broadcast_in_dim3A_330 : vector<512x512xi1>, vector<512x512xf32>
    %reduce_sum3A_332 = arith.constant dense<0.000000e+00> : vector<512xf32>
    %reduce_sum3A_333 = vector.multi_reduction <add>, %select_n3A_331, %reduce_sum3A_332 [1] : vector<512x512xf32> to vector<512xf32>
    %broadcast_in_dim3A_334 = vector.shape_cast %reduce_sum3A_333 : vector<512xf32> to vector<512x1xf32>
    %add3A_335 = arith.addf %while3A_122#14, %broadcast_in_dim3A_334 : vector<512x1xf32>
    %dot_general3A_336 = arith.constant dense<0.000000e+00> : vector<512x64xf32>
    %dot_general3A_337 = tpu.matmul %select_n3A_331, %slice3A_299, %dot_general3A_336 {dimension_numbers = #tpu.dot_dimension_numbers<[1], [0], [0], [1], [0, 0, 1, 1], [], []>, transpose_lhs_hint = false} : vector<512x512xf32>, vector<512x64xf32>, vector<512x64xf32> -> vector<512x64xf32>
    %add3A_338 = arith.addf %while3A_122#30, %dot_general3A_337 : vector<512x64xf32>
    %dot_general3A_339 = arith.constant dense<0.000000e+00> : vector<512x512xf32>
    %dot_general3A_340 = tpu.matmul %concatenate3A_49, %concatenate3A_298, %dot_general3A_339 {dimension_numbers = #tpu.dot_dimension_numbers<[1], [1], [0], [0], [0, 0, 1, 0], [], []>, transpose_lhs_hint = false} : vector<512x64xf32>, vector<512x64xf32>, vector<512x512xf32> -> vector<512x512xf32>
    %exp3A_341 = math.exp %dot_general3A_340 : vector<512x512xf32>
    %jit3A_342 = arith.constant 0.000000e+00 : f32
    %broadcast_in_dim3A_343 = vector.broadcast %jit3A_342 : f32 to vector<512x512xf32>
    %select_n3A_344 = arith.select %le3A, %exp3A_341, %broadcast_in_dim3A_343 : vector<512x512xi1>, vector<512x512xf32>
    %reduce_sum3A_345 = arith.constant dense<0.000000e+00> : vector<512xf32>
    %reduce_sum3A_346 = vector.multi_reduction <add>, %select_n3A_344, %reduce_sum3A_345 [1] : vector<512x512xf32> to vector<512xf32>
    %broadcast_in_dim3A_347 = vector.shape_cast %reduce_sum3A_346 : vector<512xf32> to vector<512x1xf32>
    %add3A_348 = arith.addf %while3A_122#15, %broadcast_in_dim3A_347 : vector<512x1xf32>
    %dot_general3A_349 = arith.constant dense<0.000000e+00> : vector<512x64xf32>
    %dot_general3A_350 = tpu.matmul %select_n3A_344, %slice3A_299, %dot_general3A_349 {dimension_numbers = #tpu.dot_dimension_numbers<[1], [0], [0], [1], [0, 0, 1, 1], [], []>, transpose_lhs_hint = false} : vector<512x512xf32>, vector<512x64xf32>, vector<512x64xf32> -> vector<512x64xf32>
    %add3A_351 = arith.addf %while3A_122#31, %dot_general3A_350 : vector<512x64xf32>
    %div3A = vector.broadcast %add3A : vector<512x1xf32> to vector<512x64xf32>
    %div3A_352 = arith.divf %add3A_144, %div3A : vector<512x64xf32>
    %div3A_353 = vector.broadcast %add3A_154 : vector<512x1xf32> to vector<512x64xf32>
    %div3A_354 = arith.divf %add3A_157, %div3A_353 : vector<512x64xf32>
    %div3A_355 = vector.broadcast %add3A_167 : vector<512x1xf32> to vector<512x64xf32>
    %div3A_356 = arith.divf %add3A_170, %div3A_355 : vector<512x64xf32>
    %div3A_357 = vector.broadcast %add3A_180 : vector<512x1xf32> to vector<512x64xf32>
    %div3A_358 = arith.divf %add3A_183, %div3A_357 : vector<512x64xf32>
    %div3A_359 = vector.broadcast %add3A_197 : vector<512x1xf32> to vector<512x64xf32>
    %div3A_360 = arith.divf %add3A_200, %div3A_359 : vector<512x64xf32>
    %div3A_361 = vector.broadcast %add3A_210 : vector<512x1xf32> to vector<512x64xf32>
    %div3A_362 = arith.divf %add3A_213, %div3A_361 : vector<512x64xf32>
    %div3A_363 = vector.broadcast %add3A_223 : vector<512x1xf32> to vector<512x64xf32>
    %div3A_364 = arith.divf %add3A_226, %div3A_363 : vector<512x64xf32>
    %div3A_365 = vector.broadcast %add3A_236 : vector<512x1xf32> to vector<512x64xf32>
    %div3A_366 = arith.divf %add3A_239, %div3A_365 : vector<512x64xf32>
    %div3A_367 = vector.broadcast %add3A_253 : vector<512x1xf32> to vector<512x64xf32>
    %div3A_368 = arith.divf %add3A_256, %div3A_367 : vector<512x64xf32>
    %div3A_369 = vector.broadcast %add3A_266 : vector<512x1xf32> to vector<512x64xf32>
    %div3A_370 = arith.divf %add3A_269, %div3A_369 : vector<512x64xf32>
    %div3A_371 = vector.broadcast %add3A_279 : vector<512x1xf32> to vector<512x64xf32>
    %div3A_372 = arith.divf %add3A_282, %div3A_371 : vector<512x64xf32>
    %div3A_373 = vector.broadcast %add3A_292 : vector<512x1xf32> to vector<512x64xf32>
    %div3A_374 = arith.divf %add3A_295, %div3A_373 : vector<512x64xf32>
    %div3A_375 = vector.broadcast %add3A_309 : vector<512x1xf32> to vector<512x64xf32>
    %div3A_376 = arith.divf %add3A_312, %div3A_375 : vector<512x64xf32>
    %div3A_377 = vector.broadcast %add3A_322 : vector<512x1xf32> to vector<512x64xf32>
    %div3A_378 = arith.divf %add3A_325, %div3A_377 : vector<512x64xf32>
    %div3A_379 = vector.broadcast %add3A_335 : vector<512x1xf32> to vector<512x64xf32>
    %div3A_380 = arith.divf %add3A_338, %div3A_379 : vector<512x64xf32>
    %div3A_381 = vector.broadcast %add3A_348 : vector<512x1xf32> to vector<512x64xf32>
    %div3A_382 = arith.divf %add3A_351, %div3A_381 : vector<512x64xf32>
    %concatenate3A_383 = tpu.concatenate %div3A_352, %div3A_354, %div3A_356, %div3A_358, %div3A_360, %div3A_362, %div3A_364, %div3A_366, %div3A_368, %div3A_370, %div3A_372, %div3A_374, %div3A_376, %div3A_378, %div3A_380, %div3A_382 in 1 : vector<512x64xf32>, vector<512x64xf32>, vector<512x64xf32>, vector<512x64xf32>, vector<512x64xf32>, vector<512x64xf32>, vector<512x64xf32>, vector<512x64xf32>, vector<512x64xf32>, vector<512x64xf32>, vector<512x64xf32>, vector<512x64xf32>, vector<512x64xf32>, vector<512x64xf32>, vector<512x64xf32>, vector<512x64xf32> -> vector<512x1024xf32>
    %swap3A = arith.constant 0 : index
    %swap3A_384 = arith.constant 0 : index
    %swap3A_385 = vector.load %arg4[%swap3A, %swap3A_384] : memref<512x1024xf32, #tpu.memory_space<vmem>>, vector<512x1024xf32>
    tpu.vector_store %arg4[%swap3A, %swap3A_384], %concatenate3A_383 {strides = array<i32>} : memref<512x1024xf32, #tpu.memory_space<vmem>>, vector<512x1024xf32>,
    return
  }
  func.func @transform_0(%arg0: i32) -> (i32, i32) {
    %c0_i32 = arith.constant 0 : i32
    %c0_i32_0 = arith.constant 0 : i32
    return %arg0, %c0_i32 : i32, i32
  }
  func.func @transform_1(%arg0: i32) -> (i32, i32) {
    %c0_i32 = arith.constant 0 : i32
    %c0_i32_0 = arith.constant 0 : i32
    %c0_i32_1 = arith.constant 0 : i32
    return %c0_i32, %c0_i32_0 : i32, i32
  }
  func.func @transform_2(%arg0: i32) -> (i32, i32) {
    %c0_i32 = arith.constant 0 : i32
    %c0_i32_0 = arith.constant 0 : i32
    %c0_i32_1 = arith.constant 0 : i32
    return %c0_i32, %c0_i32_0 : i32, i32
  }
  func.func @transform_3(%arg0: i32) -> (i32, i32) {
    %c0_i32 = arith.constant 0 : i32
    %c0_i32_0 = arith.constant 0 : i32
    return %arg0, %c0_i32 : i32, i32
  }
}

module attributes {stable_mosaic.version = 14 : i64} {
  func.func @_pre_attn_body(%arg0: i32, %arg1: memref<512x1024xf32, #tpu.memory_space<vmem>>, %arg2: memref<1x1024xf32, #tpu.memory_space<vmem>>, %arg3: memref<1024x1024xf32, #tpu.memory_space<vmem>>, %arg4: memref<1024x256xf32, #tpu.memory_space<vmem>>, %arg5: memref<1024x256xf32, #tpu.memory_space<vmem>>, %arg6: memref<1x1024xf32, #tpu.memory_space<vmem>>, %arg7: memref<1x256xf32, #tpu.memory_space<vmem>>, %arg8: memref<512x1024xf32, #tpu.memory_space<vmem>>, %arg9: memref<512x1024xf32, #tpu.memory_space<vmem>>, %arg10: memref<512x256xf32, #tpu.memory_space<vmem>>, %arg11: memref<512x256xf32, #tpu.memory_space<vmem>>, %arg12: memref<512x1024xf32, #tpu.memory_space<vmem>>, %arg13: memref<512x256xf32, #tpu.memory_space<vmem>>, %arg14: memref<512x256xf32, #tpu.memory_space<vmem>>) attributes {dimension_semantics = [#tpu.dimension_semantics<arbitrary>], iteration_bounds = array<i64: 4>, scalar_prefetch = 0 : i64, scratch_operands = 0 : i64, tpu.core_type = #tpu.core_type<tc>, window_params = [{transform_indices = @transform_0, window_bounds = array<i64: 512, 1024>}, {pipeline_mode = #tpu.pipeline_mode<synchronous>, transform_indices = @transform_1, window_bounds = array<i64: 1, 1024>}, {pipeline_mode = #tpu.pipeline_mode<synchronous>, transform_indices = @transform_2, window_bounds = array<i64: 1024, 1024>}, {pipeline_mode = #tpu.pipeline_mode<synchronous>, transform_indices = @transform_3, window_bounds = array<i64: 1024, 256>}, {pipeline_mode = #tpu.pipeline_mode<synchronous>, transform_indices = @transform_4, window_bounds = array<i64: 1024, 256>}, {pipeline_mode = #tpu.pipeline_mode<synchronous>, transform_indices = @transform_5, window_bounds = array<i64: 1, 1024>}, {pipeline_mode = #tpu.pipeline_mode<synchronous>, transform_indices = @transform_6, window_bounds = array<i64: 1, 256>}, {transform_indices = @transform_7, window_bounds = array<i64: 512, 1024>}, {transform_indices = @transform_8, window_bounds = array<i64: 512, 1024>}, {transform_indices = @transform_9, window_bounds = array<i64: 512, 256>}, {transform_indices = @transform_10, window_bounds = array<i64: 512, 256>}, {transform_indices = @transform_11, window_bounds = array<i64: 512, 1024>}, {transform_indices = @transform_12, window_bounds = array<i64: 512, 256>}, {transform_indices = @transform_13, window_bounds = array<i64: 512, 256>}]} {
    %get3A = arith.constant 0 : index
    %get3A_0 = arith.constant 0 : index
    %get3A_1 = vector.load %arg1[%get3A, %get3A_0] : memref<512x1024xf32, #tpu.memory_space<vmem>>, vector<512x1024xf32>
    %mul3A = arith.mulf %get3A_1, %get3A_1 : vector<512x1024xf32>
    %reduce_sum3A = arith.constant dense<0.000000e+00> : vector<512xf32>
    %reduce_sum3A_2 = vector.multi_reduction <add>, %mul3A, %reduce_sum3A [1] : vector<512x1024xf32> to vector<512xf32>
    %broadcast_in_dim3A = vector.shape_cast %reduce_sum3A_2 : vector<512xf32> to vector<512x1xf32>
    %div3A = arith.constant 1.024000e+03 : f32
    %div3A_3 = vector.broadcast %div3A : f32 to vector<512x1xf32>
    %div3A_4 = arith.divf %broadcast_in_dim3A, %div3A_3 : vector<512x1xf32>
    %get3A_5 = arith.constant 0 : index
    %get3A_6 = arith.constant 0 : index
    %get3A_7 = vector.load %arg2[%get3A_5, %get3A_6] : memref<1x1024xf32, #tpu.memory_space<vmem>>, vector<1x1024xf32>
    %add3A = arith.constant 9.99999974E-6 : f32
    %add3A_8 = vector.broadcast %add3A : f32 to vector<512x1xf32>
    %add3A_9 = arith.addf %div3A_4, %add3A_8 : vector<512x1xf32>
    %rsqrt3A = math.rsqrt %add3A_9 : vector<512x1xf32>
    %mul3A_10 = vector.broadcast %rsqrt3A : vector<512x1xf32> to vector<512x1024xf32>
    %mul3A_11 = arith.mulf %get3A_1, %mul3A_10 : vector<512x1024xf32>
    %mul3A_12 = vector.broadcast %get3A_7 : vector<1x1024xf32> to vector<512x1024xf32>
    %mul3A_13 = arith.mulf %mul3A_12, %mul3A_11 : vector<512x1024xf32>
    %get3A_14 = arith.constant 0 : index
    %get3A_15 = arith.constant 0 : index
    %get3A_16 = vector.load %arg3[%get3A_14, %get3A_15] : memref<1024x1024xf32, #tpu.memory_space<vmem>>, vector<1024x1024xf32>
    %dot_general3A = arith.constant dense<0.000000e+00> : vector<512x1024xf32>
    %dot_general3A_17 = tpu.matmul %mul3A_13, %get3A_16, %dot_general3A {dimension_numbers = #tpu.dot_dimension_numbers<[1], [0], [0], [1], [0, 0, 1, 1], [], []>, transpose_lhs_hint = false} : vector<512x1024xf32>, vector<1024x1024xf32>, vector<512x1024xf32> -> vector<512x1024xf32>
    %get3A_18 = arith.constant 0 : index
    %get3A_19 = arith.constant 0 : index
    %get3A_20 = vector.load %arg4[%get3A_18, %get3A_19] : memref<1024x256xf32, #tpu.memory_space<vmem>>, vector<1024x256xf32>
    %dot_general3A_21 = arith.constant dense<0.000000e+00> : vector<512x256xf32>
    %dot_general3A_22 = tpu.matmul %mul3A_13, %get3A_20, %dot_general3A_21 {dimension_numbers = #tpu.dot_dimension_numbers<[1], [0], [0], [1], [0, 0, 1, 1], [], []>, transpose_lhs_hint = false} : vector<512x1024xf32>, vector<1024x256xf32>, vector<512x256xf32> -> vector<512x256xf32>
    %get3A_23 = arith.constant 0 : index
    %get3A_24 = arith.constant 0 : index
    %get3A_25 = vector.load %arg5[%get3A_23, %get3A_24] : memref<1024x256xf32, #tpu.memory_space<vmem>>, vector<1024x256xf32>
    %dot_general3A_26 = arith.constant dense<0.000000e+00> : vector<512x256xf32>
    %dot_general3A_27 = tpu.matmul %mul3A_13, %get3A_25, %dot_general3A_26 {dimension_numbers = #tpu.dot_dimension_numbers<[1], [0], [0], [1], [0, 0, 1, 1], [], []>, transpose_lhs_hint = false} : vector<512x1024xf32>, vector<1024x256xf32>, vector<512x256xf32> -> vector<512x256xf32>
    %iota3A = tpu.iota {dimensions = array<i32: 0>} : vector<1024x16xi32>
    %iota3A_28 = tpu.iota {dimensions = array<i32: 1>} : vector<1024x16xi32>
    %jit3A = arith.constant 512 : i32
    %eq3A = arith.constant 0 : i32
    %eq3A_29 = arith.cmpi eq, %jit3A, %eq3A : i32
    %jit3A_30 = arith.constant 1 : i32
    %select_n3A = arith.select %eq3A_29, %jit3A_30, %jit3A : i32
    %rem3A = vector.broadcast %select_n3A : i32 to vector<1024x16xi32>
    %rem3A_31 = arith.remsi %iota3A, %rem3A : vector<1024x16xi32>
    %ne3A = arith.constant 0 : i32
    %ne3A_32 = vector.broadcast %ne3A : i32 to vector<1024x16xi32>
    %ne3A_33 = arith.cmpi ne, %rem3A_31, %ne3A_32 : vector<1024x16xi32>
    %lt3A = arith.constant 0 : i32
    %lt3A_34 = vector.broadcast %lt3A : i32 to vector<1024x16xi32>
    %lt3A_35 = arith.cmpi slt, %rem3A_31, %lt3A_34 : vector<1024x16xi32>
    %lt3A_36 = arith.constant 0 : i32
    %lt3A_37 = arith.cmpi slt, %select_n3A, %lt3A_36 : i32
    %ne3A_38 = vector.broadcast %lt3A_37 : i1 to vector<1024x16xi1>
    %ne3A_39 = vector.broadcast %ne3A_38 : vector<1024x16xi1> to vector<1024x16xi1>
    %ne3A_40 = arith.xori %lt3A_35, %ne3A_39 : vector<1024x16xi1>
    %and3A = arith.andi %ne3A_40, %ne3A_33 : vector<1024x16xi1>
    %add3A_41 = vector.broadcast %select_n3A : i32 to vector<1024x16xi32>
    %add3A_42 = arith.addi %rem3A_31, %add3A_41 : vector<1024x16xi32>
    %select_n3A_43 = arith.select %and3A, %add3A_42, %rem3A_31 : vector<1024x16xi1>, vector<1024x16xi32>
    %jit3A_44 = arith.constant 32 : i32
    %div3A_45 = vector.broadcast %jit3A_44 : i32 to vector<1024x16xi32>
    %div3A_46 = arith.divsi %select_n3A_43, %div3A_45 : vector<1024x16xi32>
    %sign3A = arith.constant 0 : i32
    %sign3A_47 = vector.broadcast %sign3A : i32 to vector<1024x16xi32>
    %sign3A_48 = arith.cmpi sgt, %select_n3A_43, %sign3A_47 : vector<1024x16xi32>
    %sign3A_49 = arith.extui %sign3A_48 : vector<1024x16xi1> to vector<1024x16xi32>
    %sign3A_50 = arith.constant 0 : i32
    %sign3A_51 = vector.broadcast %sign3A_50 : i32 to vector<1024x16xi32>
    %sign3A_52 = arith.cmpi slt, %select_n3A_43, %sign3A_51 : vector<1024x16xi32>
    %sign3A_53 = arith.extui %sign3A_52 : vector<1024x16xi1> to vector<1024x16xi32>
    %sign3A_54 = arith.subi %sign3A_49, %sign3A_53 : vector<1024x16xi32>
    %sign3A_55 = arith.constant 0 : i32
    %sign3A_56 = arith.cmpi sgt, %jit3A_44, %sign3A_55 : i32
    %sign3A_57 = arith.extui %sign3A_56 : i1 to i32
    %sign3A_58 = arith.constant 0 : i32
    %sign3A_59 = arith.cmpi slt, %jit3A_44, %sign3A_58 : i32
    %sign3A_60 = arith.extui %sign3A_59 : i1 to i32
    %sign3A_61 = arith.subi %sign3A_57, %sign3A_60 : i32
    %ne3A_62 = vector.broadcast %sign3A_61 : i32 to vector<1024x16xi32>
    %ne3A_63 = arith.cmpi ne, %sign3A_54, %ne3A_62 : vector<1024x16xi32>
    %rem3A_64 = vector.broadcast %jit3A_44 : i32 to vector<1024x16xi32>
    %rem3A_65 = arith.remsi %select_n3A_43, %rem3A_64 : vector<1024x16xi32>
    %ne3A_66 = arith.constant 0 : i32
    %ne3A_67 = vector.broadcast %ne3A_66 : i32 to vector<1024x16xi32>
    %ne3A_68 = arith.cmpi ne, %rem3A_65, %ne3A_67 : vector<1024x16xi32>
    %and3A_69 = arith.andi %ne3A_63, %ne3A_68 : vector<1024x16xi1>
    %sub3A = arith.constant 1 : i32
    %sub3A_70 = vector.broadcast %sub3A : i32 to vector<1024x16xi32>
    %sub3A_71 = arith.subi %div3A_46, %sub3A_70 : vector<1024x16xi32>
    %select_n3A_72 = arith.select %and3A_69, %sub3A_71, %div3A_46 : vector<1024x16xi1>, vector<1024x16xi32>
    %eq3A_73 = arith.cmpi eq, %select_n3A_72, %iota3A_28 : vector<1024x16xi32>
    %convert_element_type3A = arith.extui %eq3A_73 : vector<1024x16xi1> to vector<1024x16xi32>
    %convert_element_type3A_74 = arith.sitofp %convert_element_type3A : vector<1024x16xi32> to vector<1024x16xf32>
    %mul3A_75 = arith.mulf %dot_general3A_17, %dot_general3A_17 : vector<512x1024xf32>
    %dot_general3A_76 = arith.constant dense<0.000000e+00> : vector<512x16xf32>
    %dot_general3A_77 = tpu.matmul %mul3A_75, %convert_element_type3A_74, %dot_general3A_76 {dimension_numbers = #tpu.dot_dimension_numbers<[1], [0], [0], [1], [0, 0, 1, 1], [], []>, transpose_lhs_hint = false} : vector<512x1024xf32>, vector<1024x16xf32>, vector<512x16xf32> -> vector<512x16xf32>
    %mul3A_78 = arith.constant 1.562500e-02 : f32
    %mul3A_79 = vector.broadcast %mul3A_78 : f32 to vector<512x16xf32>
    %mul3A_80 = arith.mulf %dot_general3A_77, %mul3A_79 : vector<512x16xf32>
    %add3A_81 = arith.constant 9.99999974E-6 : f32
    %add3A_82 = vector.broadcast %add3A_81 : f32 to vector<512x16xf32>
    %add3A_83 = arith.addf %mul3A_80, %add3A_82 : vector<512x16xf32>
    %rsqrt3A_84 = math.rsqrt %add3A_83 : vector<512x16xf32>
    %iota3A_85 = tpu.iota {dimensions = array<i32: 1>} : vector<16x1024xi32>
    %jit3A_86 = arith.constant 512 : i32
    %eq3A_87 = arith.constant 0 : i32
    %eq3A_88 = arith.cmpi eq, %jit3A_86, %eq3A_87 : i32
    %jit3A_89 = arith.constant 1 : i32
    %select_n3A_90 = arith.select %eq3A_88, %jit3A_89, %jit3A_86 : i32
    %rem3A_91 = vector.broadcast %select_n3A_90 : i32 to vector<16x1024xi32>
    %rem3A_92 = arith.remsi %iota3A_85, %rem3A_91 : vector<16x1024xi32>
    %ne3A_93 = arith.constant 0 : i32
    %ne3A_94 = vector.broadcast %ne3A_93 : i32 to vector<16x1024xi32>
    %ne3A_95 = arith.cmpi ne, %rem3A_92, %ne3A_94 : vector<16x1024xi32>
    %lt3A_96 = arith.constant 0 : i32
    %lt3A_97 = vector.broadcast %lt3A_96 : i32 to vector<16x1024xi32>
    %lt3A_98 = arith.cmpi slt, %rem3A_92, %lt3A_97 : vector<16x1024xi32>
    %lt3A_99 = arith.constant 0 : i32
    %lt3A_100 = arith.cmpi slt, %select_n3A_90, %lt3A_99 : i32
    %ne3A_101 = vector.broadcast %lt3A_100 : i1 to vector<16x1024xi1>
    %ne3A_102 = vector.broadcast %ne3A_101 : vector<16x1024xi1> to vector<16x1024xi1>
    %ne3A_103 = arith.xori %lt3A_98, %ne3A_102 : vector<16x1024xi1>
    %and3A_104 = arith.andi %ne3A_103, %ne3A_95 : vector<16x1024xi1>
    %add3A_105 = vector.broadcast %select_n3A_90 : i32 to vector<16x1024xi32>
    %add3A_106 = arith.addi %rem3A_92, %add3A_105 : vector<16x1024xi32>
    %select_n3A_107 = arith.select %and3A_104, %add3A_106, %rem3A_92 : vector<16x1024xi1>, vector<16x1024xi32>
    %jit3A_108 = arith.constant 32 : i32
    %div3A_109 = vector.broadcast %jit3A_108 : i32 to vector<16x1024xi32>
    %div3A_110 = arith.divsi %select_n3A_107, %div3A_109 : vector<16x1024xi32>
    %sign3A_111 = arith.constant 0 : i32
    %sign3A_112 = vector.broadcast %sign3A_111 : i32 to vector<16x1024xi32>
    %sign3A_113 = arith.cmpi sgt, %select_n3A_107, %sign3A_112 : vector<16x1024xi32>
    %sign3A_114 = arith.extui %sign3A_113 : vector<16x1024xi1> to vector<16x1024xi32>
    %sign3A_115 = arith.constant 0 : i32
    %sign3A_116 = vector.broadcast %sign3A_115 : i32 to vector<16x1024xi32>
    %sign3A_117 = arith.cmpi slt, %select_n3A_107, %sign3A_116 : vector<16x1024xi32>
    %sign3A_118 = arith.extui %sign3A_117 : vector<16x1024xi1> to vector<16x1024xi32>
    %sign3A_119 = arith.subi %sign3A_114, %sign3A_118 : vector<16x1024xi32>
    %sign3A_120 = arith.constant 0 : i32
    %sign3A_121 = arith.cmpi sgt, %jit3A_108, %sign3A_120 : i32
    %sign3A_122 = arith.extui %sign3A_121 : i1 to i32
    %sign3A_123 = arith.constant 0 : i32
    %sign3A_124 = arith.cmpi slt, %jit3A_108, %sign3A_123 : i32
    %sign3A_125 = arith.extui %sign3A_124 : i1 to i32
    %sign3A_126 = arith.subi %sign3A_122, %sign3A_125 : i32
    %ne3A_127 = vector.broadcast %sign3A_126 : i32 to vector<16x1024xi32>
    %ne3A_128 = arith.cmpi ne, %sign3A_119, %ne3A_127 : vector<16x1024xi32>
    %rem3A_129 = vector.broadcast %jit3A_108 : i32 to vector<16x1024xi32>
    %rem3A_130 = arith.remsi %select_n3A_107, %rem3A_129 : vector<16x1024xi32>
    %ne3A_131 = arith.constant 0 : i32
    %ne3A_132 = vector.broadcast %ne3A_131 : i32 to vector<16x1024xi32>
    %ne3A_133 = arith.cmpi ne, %rem3A_130, %ne3A_132 : vector<16x1024xi32>
    %and3A_134 = arith.andi %ne3A_128, %ne3A_133 : vector<16x1024xi1>
    %sub3A_135 = arith.constant 1 : i32
    %sub3A_136 = vector.broadcast %sub3A_135 : i32 to vector<16x1024xi32>
    %sub3A_137 = arith.subi %div3A_110, %sub3A_136 : vector<16x1024xi32>
    %select_n3A_138 = arith.select %and3A_134, %sub3A_137, %div3A_110 : vector<16x1024xi1>, vector<16x1024xi32>
    %iota3A_139 = tpu.iota {dimensions = array<i32: 0>} : vector<16x1024xi32>
    %eq3A_140 = arith.cmpi eq, %select_n3A_138, %iota3A_139 : vector<16x1024xi32>
    %convert_element_type3A_141 = arith.extui %eq3A_140 : vector<16x1024xi1> to vector<16x1024xi32>
    %convert_element_type3A_142 = arith.sitofp %convert_element_type3A_141 : vector<16x1024xi32> to vector<16x1024xf32>
    %dot_general3A_143 = arith.constant dense<0.000000e+00> : vector<512x1024xf32>
    %dot_general3A_144 = tpu.matmul %rsqrt3A_84, %convert_element_type3A_142, %dot_general3A_143 {dimension_numbers = #tpu.dot_dimension_numbers<[1], [0], [0], [1], [0, 0, 1, 1], [], []>, transpose_lhs_hint = false} : vector<512x16xf32>, vector<16x1024xf32>, vector<512x1024xf32> -> vector<512x1024xf32>
    %mul3A_145 = arith.mulf %dot_general3A_17, %dot_general3A_144 : vector<512x1024xf32>
    %get3A_146 = arith.constant 0 : index
    %get3A_147 = arith.constant 0 : index
    %get3A_148 = vector.load %arg6[%get3A_146, %get3A_147] : memref<1x1024xf32, #tpu.memory_space<vmem>>, vector<1x1024xf32>
    %mul3A_149 = vector.broadcast %get3A_148 : vector<1x1024xf32> to vector<512x1024xf32>
    %mul3A_150 = arith.mulf %mul3A_145, %mul3A_149 : vector<512x1024xf32>
    %iota3A_151 = tpu.iota {dimensions = array<i32: 0>} : vector<256x4xi32>
    %iota3A_152 = tpu.iota {dimensions = array<i32: 1>} : vector<256x4xi32>
    %jit3A_153 = arith.constant 128 : i32
    %eq3A_154 = arith.constant 0 : i32
    %eq3A_155 = arith.cmpi eq, %jit3A_153, %eq3A_154 : i32
    %jit3A_156 = arith.constant 1 : i32
    %select_n3A_157 = arith.select %eq3A_155, %jit3A_156, %jit3A_153 : i32
    %rem3A_158 = vector.broadcast %select_n3A_157 : i32 to vector<256x4xi32>
    %rem3A_159 = arith.remsi %iota3A_151, %rem3A_158 : vector<256x4xi32>
    %ne3A_160 = arith.constant 0 : i32
    %ne3A_161 = vector.broadcast %ne3A_160 : i32 to vector<256x4xi32>
    %ne3A_162 = arith.cmpi ne, %rem3A_159, %ne3A_161 : vector<256x4xi32>
    %lt3A_163 = arith.constant 0 : i32
    %lt3A_164 = vector.broadcast %lt3A_163 : i32 to vector<256x4xi32>
    %lt3A_165 = arith.cmpi slt, %rem3A_159, %lt3A_164 : vector<256x4xi32>
    %lt3A_166 = arith.constant 0 : i32
    %lt3A_167 = arith.cmpi slt, %select_n3A_157, %lt3A_166 : i32
    %ne3A_168 = vector.broadcast %lt3A_167 : i1 to vector<256x4xi1>
    %ne3A_169 = vector.broadcast %ne3A_168 : vector<256x4xi1> to vector<256x4xi1>
    %ne3A_170 = arith.xori %lt3A_165, %ne3A_169 : vector<256x4xi1>
    %and3A_171 = arith.andi %ne3A_170, %ne3A_162 : vector<256x4xi1>
    %add3A_172 = vector.broadcast %select_n3A_157 : i32 to vector<256x4xi32>
    %add3A_173 = arith.addi %rem3A_159, %add3A_172 : vector<256x4xi32>
    %select_n3A_174 = arith.select %and3A_171, %add3A_173, %rem3A_159 : vector<256x4xi1>, vector<256x4xi32>
    %jit3A_175 = arith.constant 32 : i32
    %div3A_176 = vector.broadcast %jit3A_175 : i32 to vector<256x4xi32>
    %div3A_177 = arith.divsi %select_n3A_174, %div3A_176 : vector<256x4xi32>
    %sign3A_178 = arith.constant 0 : i32
    %sign3A_179 = vector.broadcast %sign3A_178 : i32 to vector<256x4xi32>
    %sign3A_180 = arith.cmpi sgt, %select_n3A_174, %sign3A_179 : vector<256x4xi32>
    %sign3A_181 = arith.extui %sign3A_180 : vector<256x4xi1> to vector<256x4xi32>
    %sign3A_182 = arith.constant 0 : i32
    %sign3A_183 = vector.broadcast %sign3A_182 : i32 to vector<256x4xi32>
    %sign3A_184 = arith.cmpi slt, %select_n3A_174, %sign3A_183 : vector<256x4xi32>
    %sign3A_185 = arith.extui %sign3A_184 : vector<256x4xi1> to vector<256x4xi32>
    %sign3A_186 = arith.subi %sign3A_181, %sign3A_185 : vector<256x4xi32>
    %sign3A_187 = arith.constant 0 : i32
    %sign3A_188 = arith.cmpi sgt, %jit3A_175, %sign3A_187 : i32
    %sign3A_189 = arith.extui %sign3A_188 : i1 to i32
    %sign3A_190 = arith.constant 0 : i32
    %sign3A_191 = arith.cmpi slt, %jit3A_175, %sign3A_190 : i32
    %sign3A_192 = arith.extui %sign3A_191 : i1 to i32
    %sign3A_193 = arith.subi %sign3A_189, %sign3A_192 : i32
    %ne3A_194 = vector.broadcast %sign3A_193 : i32 to vector<256x4xi32>
    %ne3A_195 = arith.cmpi ne, %sign3A_186, %ne3A_194 : vector<256x4xi32>
    %rem3A_196 = vector.broadcast %jit3A_175 : i32 to vector<256x4xi32>
    %rem3A_197 = arith.remsi %select_n3A_174, %rem3A_196 : vector<256x4xi32>
    %ne3A_198 = arith.constant 0 : i32
    %ne3A_199 = vector.broadcast %ne3A_198 : i32 to vector<256x4xi32>
    %ne3A_200 = arith.cmpi ne, %rem3A_197, %ne3A_199 : vector<256x4xi32>
    %and3A_201 = arith.andi %ne3A_195, %ne3A_200 : vector<256x4xi1>
    %sub3A_202 = arith.constant 1 : i32
    %sub3A_203 = vector.broadcast %sub3A_202 : i32 to vector<256x4xi32>
    %sub3A_204 = arith.subi %div3A_177, %sub3A_203 : vector<256x4xi32>
    %select_n3A_205 = arith.select %and3A_201, %sub3A_204, %div3A_177 : vector<256x4xi1>, vector<256x4xi32>
    %eq3A_206 = arith.cmpi eq, %select_n3A_205, %iota3A_152 : vector<256x4xi32>
    %convert_element_type3A_207 = arith.extui %eq3A_206 : vector<256x4xi1> to vector<256x4xi32>
    %convert_element_type3A_208 = arith.sitofp %convert_element_type3A_207 : vector<256x4xi32> to vector<256x4xf32>
    %mul3A_209 = arith.mulf %dot_general3A_22, %dot_general3A_22 : vector<512x256xf32>
    %dot_general3A_210 = arith.constant dense<0.000000e+00> : vector<512x4xf32>
    %dot_general3A_211 = tpu.matmul %mul3A_209, %convert_element_type3A_208, %dot_general3A_210 {dimension_numbers = #tpu.dot_dimension_numbers<[1], [0], [0], [1], [0, 0, 1, 1], [], []>, transpose_lhs_hint = false} : vector<512x256xf32>, vector<256x4xf32>, vector<512x4xf32> -> vector<512x4xf32>
    %mul3A_212 = arith.constant 1.562500e-02 : f32
    %mul3A_213 = vector.broadcast %mul3A_212 : f32 to vector<512x4xf32>
    %mul3A_214 = arith.mulf %dot_general3A_211, %mul3A_213 : vector<512x4xf32>
    %add3A_215 = arith.constant 9.99999974E-6 : f32
    %add3A_216 = vector.broadcast %add3A_215 : f32 to vector<512x4xf32>
    %add3A_217 = arith.addf %mul3A_214, %add3A_216 : vector<512x4xf32>
    %rsqrt3A_218 = math.rsqrt %add3A_217 : vector<512x4xf32>
    %iota3A_219 = tpu.iota {dimensions = array<i32: 1>} : vector<4x256xi32>
    %jit3A_220 = arith.constant 128 : i32
    %eq3A_221 = arith.constant 0 : i32
    %eq3A_222 = arith.cmpi eq, %jit3A_220, %eq3A_221 : i32
    %jit3A_223 = arith.constant 1 : i32
    %select_n3A_224 = arith.select %eq3A_222, %jit3A_223, %jit3A_220 : i32
    %rem3A_225 = vector.broadcast %select_n3A_224 : i32 to vector<4x256xi32>
    %rem3A_226 = arith.remsi %iota3A_219, %rem3A_225 : vector<4x256xi32>
    %ne3A_227 = arith.constant 0 : i32
    %ne3A_228 = vector.broadcast %ne3A_227 : i32 to vector<4x256xi32>
    %ne3A_229 = arith.cmpi ne, %rem3A_226, %ne3A_228 : vector<4x256xi32>
    %lt3A_230 = arith.constant 0 : i32
    %lt3A_231 = vector.broadcast %lt3A_230 : i32 to vector<4x256xi32>
    %lt3A_232 = arith.cmpi slt, %rem3A_226, %lt3A_231 : vector<4x256xi32>
    %lt3A_233 = arith.constant 0 : i32
    %lt3A_234 = arith.cmpi slt, %select_n3A_224, %lt3A_233 : i32
    %ne3A_235 = vector.broadcast %lt3A_234 : i1 to vector<4x256xi1>
    %ne3A_236 = vector.broadcast %ne3A_235 : vector<4x256xi1> to vector<4x256xi1>
    %ne3A_237 = arith.xori %lt3A_232, %ne3A_236 : vector<4x256xi1>
    %and3A_238 = arith.andi %ne3A_237, %ne3A_229 : vector<4x256xi1>
    %add3A_239 = vector.broadcast %select_n3A_224 : i32 to vector<4x256xi32>
    %add3A_240 = arith.addi %rem3A_226, %add3A_239 : vector<4x256xi32>
    %select_n3A_241 = arith.select %and3A_238, %add3A_240, %rem3A_226 : vector<4x256xi1>, vector<4x256xi32>
    %jit3A_242 = arith.constant 32 : i32
    %div3A_243 = vector.broadcast %jit3A_242 : i32 to vector<4x256xi32>
    %div3A_244 = arith.divsi %select_n3A_241, %div3A_243 : vector<4x256xi32>
    %sign3A_245 = arith.constant 0 : i32
    %sign3A_246 = vector.broadcast %sign3A_245 : i32 to vector<4x256xi32>
    %sign3A_247 = arith.cmpi sgt, %select_n3A_241, %sign3A_246 : vector<4x256xi32>
    %sign3A_248 = arith.extui %sign3A_247 : vector<4x256xi1> to vector<4x256xi32>
    %sign3A_249 = arith.constant 0 : i32
    %sign3A_250 = vector.broadcast %sign3A_249 : i32 to vector<4x256xi32>
    %sign3A_251 = arith.cmpi slt, %select_n3A_241, %sign3A_250 : vector<4x256xi32>
    %sign3A_252 = arith.extui %sign3A_251 : vector<4x256xi1> to vector<4x256xi32>
    %sign3A_253 = arith.subi %sign3A_248, %sign3A_252 : vector<4x256xi32>
    %sign3A_254 = arith.constant 0 : i32
    %sign3A_255 = arith.cmpi sgt, %jit3A_242, %sign3A_254 : i32
    %sign3A_256 = arith.extui %sign3A_255 : i1 to i32
    %sign3A_257 = arith.constant 0 : i32
    %sign3A_258 = arith.cmpi slt, %jit3A_242, %sign3A_257 : i32
    %sign3A_259 = arith.extui %sign3A_258 : i1 to i32
    %sign3A_260 = arith.subi %sign3A_256, %sign3A_259 : i32
    %ne3A_261 = vector.broadcast %sign3A_260 : i32 to vector<4x256xi32>
    %ne3A_262 = arith.cmpi ne, %sign3A_253, %ne3A_261 : vector<4x256xi32>
    %rem3A_263 = vector.broadcast %jit3A_242 : i32 to vector<4x256xi32>
    %rem3A_264 = arith.remsi %select_n3A_241, %rem3A_263 : vector<4x256xi32>
    %ne3A_265 = arith.constant 0 : i32
    %ne3A_266 = vector.broadcast %ne3A_265 : i32 to vector<4x256xi32>
    %ne3A_267 = arith.cmpi ne, %rem3A_264, %ne3A_266 : vector<4x256xi32>
    %and3A_268 = arith.andi %ne3A_262, %ne3A_267 : vector<4x256xi1>
    %sub3A_269 = arith.constant 1 : i32
    %sub3A_270 = vector.broadcast %sub3A_269 : i32 to vector<4x256xi32>
    %sub3A_271 = arith.subi %div3A_244, %sub3A_270 : vector<4x256xi32>
    %select_n3A_272 = arith.select %and3A_268, %sub3A_271, %div3A_244 : vector<4x256xi1>, vector<4x256xi32>
    %iota3A_273 = tpu.iota {dimensions = array<i32: 0>} : vector<4x256xi32>
    %eq3A_274 = arith.cmpi eq, %select_n3A_272, %iota3A_273 : vector<4x256xi32>
    %convert_element_type3A_275 = arith.extui %eq3A_274 : vector<4x256xi1> to vector<4x256xi32>
    %convert_element_type3A_276 = arith.sitofp %convert_element_type3A_275 : vector<4x256xi32> to vector<4x256xf32>
    %dot_general3A_277 = arith.constant dense<0.000000e+00> : vector<512x256xf32>
    %dot_general3A_278 = tpu.matmul %rsqrt3A_218, %convert_element_type3A_276, %dot_general3A_277 {dimension_numbers = #tpu.dot_dimension_numbers<[1], [0], [0], [1], [0, 0, 1, 1], [], []>, transpose_lhs_hint = false} : vector<512x4xf32>, vector<4x256xf32>, vector<512x256xf32> -> vector<512x256xf32>
    %mul3A_279 = arith.mulf %dot_general3A_22, %dot_general3A_278 : vector<512x256xf32>
    %get3A_280 = arith.constant 0 : index
    %get3A_281 = arith.constant 0 : index
    %get3A_282 = vector.load %arg7[%get3A_280, %get3A_281] : memref<1x256xf32, #tpu.memory_space<vmem>>, vector<1x256xf32>
    %mul3A_283 = vector.broadcast %get3A_282 : vector<1x256xf32> to vector<512x256xf32>
    %mul3A_284 = arith.mulf %mul3A_279, %mul3A_283 : vector<512x256xf32>
    %slice3A = vector.extract_strided_slice %mul3A_150 {offsets = [0, 512], sizes = [512, 512], strides = [1, 1]} : vector<512x1024xf32> to vector<512x512xf32>
    %neg3A = arith.constant 0.000000e+00 : f32
    %neg3A_285 = vector.broadcast %neg3A : f32 to vector<512x512xf32>
    %neg3A_286 = arith.subf %neg3A_285, %slice3A : vector<512x512xf32>
    %slice3A_287 = vector.extract_strided_slice %mul3A_150 {offsets = [0, 0], sizes = [512, 512], strides = [1, 1]} : vector<512x1024xf32> to vector<512x512xf32>
    %concatenate3A = tpu.concatenate %neg3A_286, %slice3A_287 in 1 : vector<512x512xf32>, vector<512x512xf32> -> vector<512x1024xf32>
    %get3A_288 = arith.constant 0 : index
    %get3A_289 = arith.constant 0 : index
    %get3A_290 = vector.load %arg8[%get3A_288, %get3A_289] : memref<512x1024xf32, #tpu.memory_space<vmem>>, vector<512x1024xf32>
    %mul3A_291 = arith.mulf %mul3A_150, %get3A_290 : vector<512x1024xf32>
    %get3A_292 = arith.constant 0 : index
    %get3A_293 = arith.constant 0 : index
    %get3A_294 = vector.load %arg9[%get3A_292, %get3A_293] : memref<512x1024xf32, #tpu.memory_space<vmem>>, vector<512x1024xf32>
    %mul3A_295 = arith.mulf %concatenate3A, %get3A_294 : vector<512x1024xf32>
    %add3A_296 = arith.addf %mul3A_291, %mul3A_295 : vector<512x1024xf32>
    %slice3A_297 = vector.extract_strided_slice %mul3A_284 {offsets = [0, 128], sizes = [512, 128], strides = [1, 1]} : vector<512x256xf32> to vector<512x128xf32>
    %neg3A_298 = arith.constant 0.000000e+00 : f32
    %neg3A_299 = vector.broadcast %neg3A_298 : f32 to vector<512x128xf32>
    %neg3A_300 = arith.subf %neg3A_299, %slice3A_297 : vector<512x128xf32>
    %slice3A_301 = vector.extract_strided_slice %mul3A_284 {offsets = [0, 0], sizes = [512, 128], strides = [1, 1]} : vector<512x256xf32> to vector<512x128xf32>
    %concatenate3A_302 = tpu.concatenate %neg3A_300, %slice3A_301 in 1 : vector<512x128xf32>, vector<512x128xf32> -> vector<512x256xf32>
    %get3A_303 = arith.constant 0 : index
    %get3A_304 = arith.constant 0 : index
    %get3A_305 = vector.load %arg10[%get3A_303, %get3A_304] : memref<512x256xf32, #tpu.memory_space<vmem>>, vector<512x256xf32>
    %mul3A_306 = arith.mulf %mul3A_284, %get3A_305 : vector<512x256xf32>
    %get3A_307 = arith.constant 0 : index
    %get3A_308 = arith.constant 0 : index
    %get3A_309 = vector.load %arg11[%get3A_307, %get3A_308] : memref<512x256xf32, #tpu.memory_space<vmem>>, vector<512x256xf32>
    %mul3A_310 = arith.mulf %concatenate3A_302, %get3A_309 : vector<512x256xf32>
    %add3A_311 = arith.addf %mul3A_306, %mul3A_310 : vector<512x256xf32>
    %swap3A = arith.constant 0 : index
    %swap3A_312 = arith.constant 0 : index
    %swap3A_313 = vector.load %arg12[%swap3A, %swap3A_312] : memref<512x1024xf32, #tpu.memory_space<vmem>>, vector<512x1024xf32>
    tpu.vector_store %arg12[%swap3A, %swap3A_312], %add3A_296 {strides = array<i32>} : memref<512x1024xf32, #tpu.memory_space<vmem>>, vector<512x1024xf32>,
    %swap3A_314 = arith.constant 0 : index
    %swap3A_315 = arith.constant 0 : index
    %swap3A_316 = vector.load %arg13[%swap3A_314, %swap3A_315] : memref<512x256xf32, #tpu.memory_space<vmem>>, vector<512x256xf32>
    tpu.vector_store %arg13[%swap3A_314, %swap3A_315], %add3A_311 {strides = array<i32>} : memref<512x256xf32, #tpu.memory_space<vmem>>, vector<512x256xf32>,
    %swap3A_317 = arith.constant 0 : index
    %swap3A_318 = arith.constant 0 : index
    %swap3A_319 = vector.load %arg14[%swap3A_317, %swap3A_318] : memref<512x256xf32, #tpu.memory_space<vmem>>, vector<512x256xf32>
    tpu.vector_store %arg14[%swap3A_317, %swap3A_318], %dot_general3A_27 {strides = array<i32>} : memref<512x256xf32, #tpu.memory_space<vmem>>, vector<512x256xf32>,
    return
  }
  func.func @transform_0(%arg0: i32) -> (i32, i32) {
    %c0_i32 = arith.constant 0 : i32
    %c0_i32_0 = arith.constant 0 : i32
    return %arg0, %c0_i32 : i32, i32
  }
  func.func @transform_1(%arg0: i32) -> (i32, i32) {
    %c0_i32 = arith.constant 0 : i32
    %c0_i32_0 = arith.constant 0 : i32
    %c0_i32_1 = arith.constant 0 : i32
    return %c0_i32, %c0_i32_0 : i32, i32
  }
  func.func @transform_2(%arg0: i32) -> (i32, i32) {
    %c0_i32 = arith.constant 0 : i32
    %c0_i32_0 = arith.constant 0 : i32
    %c0_i32_1 = arith.constant 0 : i32
    return %c0_i32, %c0_i32_0 : i32, i32
  }
  func.func @transform_3(%arg0: i32) -> (i32, i32) {
    %c0_i32 = arith.constant 0 : i32
    %c0_i32_0 = arith.constant 0 : i32
    %c0_i32_1 = arith.constant 0 : i32
    return %c0_i32, %c0_i32_0 : i32, i32
  }
  func.func @transform_4(%arg0: i32) -> (i32, i32) {
    %c0_i32 = arith.constant 0 : i32
    %c0_i32_0 = arith.constant 0 : i32
    %c0_i32_1 = arith.constant 0 : i32
    return %c0_i32, %c0_i32_0 : i32, i32
  }
  func.func @transform_5(%arg0: i32) -> (i32, i32) {
    %c0_i32 = arith.constant 0 : i32
    %c0_i32_0 = arith.constant 0 : i32
    %c0_i32_1 = arith.constant 0 : i32
    return %c0_i32, %c0_i32_0 : i32, i32
  }
  func.func @transform_6(%arg0: i32) -> (i32, i32) {
    %c0_i32 = arith.constant 0 : i32
    %c0_i32_0 = arith.constant 0 : i32
    %c0_i32_1 = arith.constant 0 : i32
    return %c0_i32, %c0_i32_0 : i32, i32
  }
  func.func @transform_7(%arg0: i32) -> (i32, i32) {
    %c0_i32 = arith.constant 0 : i32
    %c0_i32_0 = arith.constant 0 : i32
    return %arg0, %c0_i32 : i32, i32
  }
  func.func @transform_8(%arg0: i32) -> (i32, i32) {
    %c0_i32 = arith.constant 0 : i32
    %c0_i32_0 = arith.constant 0 : i32
    return %arg0, %c0_i32 : i32, i32
  }
  func.func @transform_9(%arg0: i32) -> (i32, i32) {
    %c0_i32 = arith.constant 0 : i32
    %c0_i32_0 = arith.constant 0 : i32
    return %arg0, %c0_i32 : i32, i32
  }
  func.func @transform_10(%arg0: i32) -> (i32, i32) {
    %c0_i32 = arith.constant 0 : i32
    %c0_i32_0 = arith.constant 0 : i32
    return %arg0, %c0_i32 : i32, i32
  }
  func.func @transform_11(%arg0: i32) -> (i32, i32) {
    %c0_i32 = arith.constant 0 : i32
    %c0_i32_0 = arith.constant 0 : i32
    return %arg0, %c0_i32 : i32, i32
  }
  func.func @transform_12(%arg0: i32) -> (i32, i32) {
    %c0_i32 = arith.constant 0 : i32
    %c0_i32_0 = arith.constant 0 : i32
    return %arg0, %c0_i32 : i32, i32
  }
  func.func @transform_13(%arg0: i32) -> (i32, i32) {
    %c0_i32 = arith.constant 0 : i32
    %c0_i32_0 = arith.constant 0 : i32
    return %arg0, %c0_i32 : i32, i32
  }
}

module attributes {stable_mosaic.version = 14 : i64} {
  func.func @_post_attn_body(%arg0: i32, %arg1: memref<256x1024xf32, #tpu.memory_space<vmem>>, %arg2: memref<256x1024xf32, #tpu.memory_space<vmem>>, %arg3: memref<1024x1024xf32, #tpu.memory_space<vmem>>, %arg4: memref<1x1024xf32, #tpu.memory_space<vmem>>, %arg5: memref<1024x128xf32, #tpu.memory_space<vmem>>, %arg6: memref<256x1024xf32, #tpu.memory_space<vmem>>, %arg7: memref<256x1024xf32, #tpu.memory_space<vmem>>, %arg8: memref<256x8xf32, #tpu.memory_space<vmem>>, %arg9: memref<256x8xf32, #tpu.memory_space<vmem>>, %arg10: memref<256x8xf32, #tpu.memory_space<vmem>>, %arg11: memref<1x8xf32, #tpu.memory_space<vmem>>, %arg12: memref<1x8xf32, #tpu.memory_space<vmem>>) attributes {dimension_semantics = [#tpu.dimension_semantics<arbitrary>], iteration_bounds = array<i64: 8>, scalar_prefetch = 0 : i64, scratch_operands = 1 : i64, tpu.core_type = #tpu.core_type<tc>, window_params = [{transform_indices = @transform_0, window_bounds = array<i64: 256, 1024>}, {transform_indices = @transform_1, window_bounds = array<i64: 256, 1024>}, {pipeline_mode = #tpu.pipeline_mode<synchronous>, transform_indices = @transform_2, window_bounds = array<i64: 1024, 1024>}, {pipeline_mode = #tpu.pipeline_mode<synchronous>, transform_indices = @transform_3, window_bounds = array<i64: 1, 1024>}, {pipeline_mode = #tpu.pipeline_mode<synchronous>, transform_indices = @transform_4, window_bounds = array<i64: 1024, 128>}, {transform_indices = @transform_5, window_bounds = array<i64: 256, 1024>}, {transform_indices = @transform_6, window_bounds = array<i64: 256, 1024>}, {transform_indices = @transform_7, window_bounds = array<i64: 256, 8>}, {transform_indices = @transform_8, window_bounds = array<i64: 256, 8>}, {transform_indices = @transform_9, window_bounds = array<i64: 256, 8>}, {pipeline_mode = #tpu.pipeline_mode<synchronous>, transform_indices = @transform_10, window_bounds = array<i64: 1, 8>}]} {
    %get3A = arith.constant 0 : index
    %get3A_0 = arith.constant 0 : index
    %get3A_1 = vector.load %arg2[%get3A, %get3A_0] : memref<256x1024xf32, #tpu.memory_space<vmem>>, vector<256x1024xf32>
    %get3A_2 = arith.constant 0 : index
    %get3A_3 = arith.constant 0 : index
    %get3A_4 = vector.load %arg1[%get3A_2, %get3A_3] : memref<256x1024xf32, #tpu.memory_space<vmem>>, vector<256x1024xf32>
    %get3A_5 = arith.constant 0 : index
    %get3A_6 = arith.constant 0 : index
    %get3A_7 = vector.load %arg3[%get3A_5, %get3A_6] : memref<1024x1024xf32, #tpu.memory_space<vmem>>, vector<1024x1024xf32>
    %dot_general3A = arith.constant dense<0.000000e+00> : vector<256x1024xf32>
    %dot_general3A_8 = tpu.matmul %get3A_4, %get3A_7, %dot_general3A {dimension_numbers = #tpu.dot_dimension_numbers<[1], [0], [0], [1], [0, 0, 1, 1], [], []>, transpose_lhs_hint = false} : vector<256x1024xf32>, vector<1024x1024xf32>, vector<256x1024xf32> -> vector<256x1024xf32>
    %add3A = arith.addf %get3A_1, %dot_general3A_8 : vector<256x1024xf32>
    %mul3A = arith.mulf %add3A, %add3A : vector<256x1024xf32>
    %reduce_sum3A = arith.constant dense<0.000000e+00> : vector<256xf32>
    %reduce_sum3A_9 = vector.multi_reduction <add>, %mul3A, %reduce_sum3A [1] : vector<256x1024xf32> to vector<256xf32>
    %broadcast_in_dim3A = vector.shape_cast %reduce_sum3A_9 : vector<256xf32> to vector<256x1xf32>
    %div3A = arith.constant 1.024000e+03 : f32
    %div3A_10 = vector.broadcast %div3A : f32 to vector<256x1xf32>
    %div3A_11 = arith.divf %broadcast_in_dim3A, %div3A_10 : vector<256x1xf32>
    %get3A_12 = arith.constant 0 : index
    %get3A_13 = arith.constant 0 : index
    %get3A_14 = vector.load %arg4[%get3A_12, %get3A_13] : memref<1x1024xf32, #tpu.memory_space<vmem>>, vector<1x1024xf32>
    %add3A_15 = arith.constant 9.99999974E-6 : f32
    %add3A_16 = vector.broadcast %add3A_15 : f32 to vector<256x1xf32>
    %add3A_17 = arith.addf %div3A_11, %add3A_16 : vector<256x1xf32>
    %rsqrt3A = math.rsqrt %add3A_17 : vector<256x1xf32>
    %mul3A_18 = vector.broadcast %rsqrt3A : vector<256x1xf32> to vector<256x1024xf32>
    %mul3A_19 = arith.mulf %add3A, %mul3A_18 : vector<256x1024xf32>
    %mul3A_20 = vector.broadcast %get3A_14 : vector<1x1024xf32> to vector<256x1024xf32>
    %mul3A_21 = arith.mulf %mul3A_20, %mul3A_19 : vector<256x1024xf32>
    %swap3A = arith.constant 0 : index
    %swap3A_22 = arith.constant 0 : index
    %swap3A_23 = vector.load %arg6[%swap3A, %swap3A_22] : memref<256x1024xf32, #tpu.memory_space<vmem>>, vector<256x1024xf32>
    tpu.vector_store %arg6[%swap3A, %swap3A_22], %add3A {strides = array<i32>} : memref<256x1024xf32, #tpu.memory_space<vmem>>, vector<256x1024xf32>,
    %swap3A_24 = arith.constant 0 : index
    %swap3A_25 = arith.constant 0 : index
    %swap3A_26 = vector.load %arg7[%swap3A_24, %swap3A_25] : memref<256x1024xf32, #tpu.memory_space<vmem>>, vector<256x1024xf32>
    tpu.vector_store %arg7[%swap3A_24, %swap3A_25], %mul3A_21 {strides = array<i32>} : memref<256x1024xf32, #tpu.memory_space<vmem>>, vector<256x1024xf32>,
    %get3A_27 = arith.constant 0 : index
    %get3A_28 = arith.constant 0 : index
    %get3A_29 = vector.load %arg5[%get3A_27, %get3A_28] : memref<1024x128xf32, #tpu.memory_space<vmem>>, vector<1024x128xf32>
    %dot_general3A_30 = arith.constant dense<0.000000e+00> : vector<256x128xf32>
    %dot_general3A_31 = tpu.matmul %mul3A_21, %get3A_29, %dot_general3A_30 {dimension_numbers = #tpu.dot_dimension_numbers<[1], [0], [0], [1], [0, 0, 1, 1], [], []>, transpose_lhs_hint = false} : vector<256x1024xf32>, vector<1024x128xf32>, vector<256x128xf32> -> vector<256x128xf32>
    %iota3A = tpu.iota {dimensions = array<i32: 1>} : vector<256x128xi32>
    %lt3A = arith.constant 8 : i32
    %lt3A_32 = vector.broadcast %lt3A : i32 to vector<256x128xi32>
    %lt3A_33 = arith.cmpi slt, %iota3A, %lt3A_32 : vector<256x128xi32>
    %jit3A = arith.constant -1.000000e+30 : f32
    %broadcast_in_dim3A_34 = vector.broadcast %jit3A : f32 to vector<256x128xf32>
    %select_n3A = arith.select %lt3A_33, %dot_general3A_31, %broadcast_in_dim3A_34 : vector<256x128xi1>, vector<256x128xf32>
    %reduce_max3A = arith.constant dense<0xFF800000> : vector<256xf32>
    %reduce_max3A_35 = vector.multi_reduction <maximumf>, %select_n3A, %reduce_max3A [1] : vector<256x128xf32> to vector<256xf32>
    %broadcast_in_dim3A_36 = vector.shape_cast %reduce_max3A_35 : vector<256xf32> to vector<256x1xf32>
    %sub3A = vector.broadcast %broadcast_in_dim3A_36 : vector<256x1xf32> to vector<256x128xf32>
    %sub3A_37 = arith.subf %select_n3A, %sub3A : vector<256x128xf32>
    %exp3A = math.exp %sub3A_37 : vector<256x128xf32>
    %jit3A_38 = arith.constant 0.000000e+00 : f32
    %broadcast_in_dim3A_39 = vector.broadcast %jit3A_38 : f32 to vector<256x128xf32>
    %select_n3A_40 = arith.select %lt3A_33, %exp3A, %broadcast_in_dim3A_39 : vector<256x128xi1>, vector<256x128xf32>
    %reduce_sum3A_41 = arith.constant dense<0.000000e+00> : vector<256xf32>
    %reduce_sum3A_42 = vector.multi_reduction <add>, %select_n3A_40, %reduce_sum3A_41 [1] : vector<256x128xf32> to vector<256xf32>
    %broadcast_in_dim3A_43 = vector.shape_cast %reduce_sum3A_42 : vector<256xf32> to vector<256x1xf32>
    %div3A_44 = vector.broadcast %broadcast_in_dim3A_43 : vector<256x1xf32> to vector<256x128xf32>
    %div3A_45 = arith.divf %select_n3A_40, %div3A_44 : vector<256x128xf32>
    %reduce_max3A_46 = arith.constant dense<0xFF800000> : vector<256xf32>
    %reduce_max3A_47 = vector.multi_reduction <maximumf>, %div3A_45, %reduce_max3A_46 [1] : vector<256x128xf32> to vector<256xf32>
    %broadcast_in_dim3A_48 = vector.shape_cast %reduce_max3A_47 : vector<256xf32> to vector<256x1xf32>
    %eq3A = vector.broadcast %broadcast_in_dim3A_48 : vector<256x1xf32> to vector<256x128xf32>
    %eq3A_49 = arith.cmpf oeq, %div3A_45, %eq3A : vector<256x128xf32>
    %jit3A_50 = arith.constant 999 : i32
    %broadcast_in_dim3A_51 = vector.broadcast %jit3A_50 : i32 to vector<256x128xi32>
    %select_n3A_52 = arith.select %eq3A_49, %iota3A, %broadcast_in_dim3A_51 : vector<256x128xi1>, vector<256x128xi32>
    %reduce_min3A = arith.constant dense<2147483647> : vector<256xi32>
    %reduce_min3A_53 = vector.multi_reduction <minsi>, %select_n3A_52, %reduce_min3A [1] : vector<256x128xi32> to vector<256xi32>
    %broadcast_in_dim3A_54 = vector.shape_cast %reduce_min3A_53 : vector<256xi32> to vector<256x1xi32>
    %eq3A_55 = vector.broadcast %broadcast_in_dim3A_54 : vector<256x1xi32> to vector<256x128xi32>
    %eq3A_56 = arith.cmpi eq, %iota3A, %eq3A_55 : vector<256x128xi32>
    %jit3A_57 = arith.constant -1.000000e+00 : f32
    %broadcast_in_dim3A_58 = vector.broadcast %jit3A_57 : f32 to vector<256x128xf32>
    %select_n3A_59 = arith.select %eq3A_56, %broadcast_in_dim3A_58, %div3A_45 : vector<256x128xi1>, vector<256x128xf32>
    %reduce_max3A_60 = arith.constant dense<0xFF800000> : vector<256xf32>
    %reduce_max3A_61 = vector.multi_reduction <maximumf>, %select_n3A_59, %reduce_max3A_60 [1] : vector<256x128xf32> to vector<256xf32>
    %broadcast_in_dim3A_62 = vector.shape_cast %reduce_max3A_61 : vector<256xf32> to vector<256x1xf32>
    %eq3A_63 = vector.broadcast %broadcast_in_dim3A_62 : vector<256x1xf32> to vector<256x128xf32>
    %eq3A_64 = arith.cmpf oeq, %select_n3A_59, %eq3A_63 : vector<256x128xf32>
    %jit3A_65 = arith.constant 999 : i32
    %broadcast_in_dim3A_66 = vector.broadcast %jit3A_65 : i32 to vector<256x128xi32>
    %select_n3A_67 = arith.select %eq3A_64, %iota3A, %broadcast_in_dim3A_66 : vector<256x128xi1>, vector<256x128xi32>
    %reduce_min3A_68 = arith.constant dense<2147483647> : vector<256xi32>
    %reduce_min3A_69 = vector.multi_reduction <minsi>, %select_n3A_67, %reduce_min3A_68 [1] : vector<256x128xi32> to vector<256xi32>
    %broadcast_in_dim3A_70 = vector.shape_cast %reduce_min3A_69 : vector<256xi32> to vector<256x1xi32>
    %eq3A_71 = vector.broadcast %broadcast_in_dim3A_70 : vector<256x1xi32> to vector<256x128xi32>
    %eq3A_72 = arith.cmpi eq, %iota3A, %eq3A_71 : vector<256x128xi32>
    %add3A_73 = arith.addf %broadcast_in_dim3A_48, %broadcast_in_dim3A_62 : vector<256x1xf32>
    %div3A_74 = arith.divf %broadcast_in_dim3A_48, %add3A_73 : vector<256x1xf32>
    %jit3A_75 = arith.constant 0.000000e+00 : f32
    %broadcast_in_dim3A_76 = vector.shape_cast %div3A_74 : vector<256x1xf32> to vector<256x1xf32>
    %broadcast_in_dim3A_77 = vector.broadcast %broadcast_in_dim3A_76 : vector<256x1xf32> to vector<256x128xf32>
    %broadcast_in_dim3A_78 = vector.broadcast %jit3A_75 : f32 to vector<256x128xf32>
    %select_n3A_79 = arith.select %eq3A_56, %broadcast_in_dim3A_77, %broadcast_in_dim3A_78 : vector<256x128xi1>, vector<256x128xf32>
    %div3A_80 = arith.divf %broadcast_in_dim3A_62, %add3A_73 : vector<256x1xf32>
    %jit3A_81 = arith.constant 0.000000e+00 : f32
    %broadcast_in_dim3A_82 = vector.shape_cast %div3A_80 : vector<256x1xf32> to vector<256x1xf32>
    %broadcast_in_dim3A_83 = vector.broadcast %broadcast_in_dim3A_82 : vector<256x1xf32> to vector<256x128xf32>
    %broadcast_in_dim3A_84 = vector.broadcast %jit3A_81 : f32 to vector<256x128xf32>
    %select_n3A_85 = arith.select %eq3A_72, %broadcast_in_dim3A_83, %broadcast_in_dim3A_84 : vector<256x128xi1>, vector<256x128xf32>
    %add3A_86 = arith.addf %select_n3A_79, %select_n3A_85 : vector<256x128xf32>
    %slice3A = vector.extract_strided_slice %add3A_86 {offsets = [0, 0], sizes = [256, 8], strides = [1, 1]} : vector<256x128xf32> to vector<256x8xf32>
    %swap3A_87 = arith.constant 0 : index
    %swap3A_88 = arith.constant 0 : index
    %swap3A_89 = vector.load %arg8[%swap3A_87, %swap3A_88] : memref<256x8xf32, #tpu.memory_space<vmem>>, vector<256x8xf32>
    tpu.vector_store %arg8[%swap3A_87, %swap3A_88], %slice3A {strides = array<i32>} : memref<256x8xf32, #tpu.memory_space<vmem>>, vector<256x8xf32>,
    %or3A = arith.ori %eq3A_56, %eq3A_72 : vector<256x128xi1>
    %slice3A_90 = vector.extract_strided_slice %or3A {offsets = [0, 0], sizes = [256, 8], strides = [1, 1]} : vector<256x128xi1> to vector<256x8xi1>
    %convert_element_type3A = arith.extui %slice3A_90 : vector<256x8xi1> to vector<256x8xi32>
    %convert_element_type3A_91 = arith.sitofp %convert_element_type3A : vector<256x8xi32> to vector<256x8xf32>
    %swap3A_92 = arith.constant 0 : index
    %swap3A_93 = arith.constant 0 : index
    %swap3A_94 = vector.load %arg9[%swap3A_92, %swap3A_93] : memref<256x8xf32, #tpu.memory_space<vmem>>, vector<256x8xf32>
    tpu.vector_store %arg9[%swap3A_92, %swap3A_93], %convert_element_type3A_91 {strides = array<i32>} : memref<256x8xf32, #tpu.memory_space<vmem>>, vector<256x8xf32>,
    %eq3A_95 = arith.constant 0 : i32
    %eq3A_96 = arith.cmpi eq, %arg0, %eq3A_95 : i32
    %convert_element_type3A_97 = arith.extui %eq3A_96 : i1 to i32
    %cond3A = arith.constant 0 : i32
    %cond3A_98 = arith.cmpi ne, %convert_element_type3A_97, %cond3A : i32
    scf.if %cond3A_98 {
      %broadcast_in_dim3A_127 = arith.constant 0.000000e+00 : f32
      %broadcast_in_dim3A_128 = vector.broadcast %broadcast_in_dim3A_127 : f32 to vector<1x8xf32>
      %swap3A_129 = arith.constant 0 : index
      %swap3A_130 = arith.constant 0 : index
      %swap3A_131 = vector.load %arg12[%swap3A_129, %swap3A_130] : memref<1x8xf32, #tpu.memory_space<vmem>>, vector<1x8xf32>
      tpu.vector_store %arg12[%swap3A_129, %swap3A_130], %broadcast_in_dim3A_128 {strides = array<i32>} : memref<1x8xf32, #tpu.memory_space<vmem>>, vector<1x8xf32>,
    } else {
    }
    %iota3A_99 = tpu.iota {dimensions = array<i32: 1>} : vector<256x256xi32>
    %iota3A_100 = tpu.iota {dimensions = array<i32: 0>} : vector<256x256xi32>
    %lt3A_101 = arith.cmpi slt, %iota3A_99, %iota3A_100 : vector<256x256xi32>
    %convert_element_type3A_102 = arith.extui %lt3A_101 : vector<256x256xi1> to vector<256x256xi32>
    %convert_element_type3A_103 = arith.sitofp %convert_element_type3A_102 : vector<256x256xi32> to vector<256x256xf32>
    %get3A_104 = arith.constant 0 : index
    %get3A_105 = arith.constant 0 : index
    %get3A_106 = vector.load %arg12[%get3A_104, %get3A_105] : memref<1x8xf32, #tpu.memory_space<vmem>>, vector<1x8xf32>
    %dot_general3A_107 = arith.constant dense<0.000000e+00> : vector<256x8xf32>
    %dot_general3A_108 = tpu.matmul %convert_element_type3A_103, %convert_element_type3A_91, %dot_general3A_107 {dimension_numbers = #tpu.dot_dimension_numbers<[1], [0], [0], [1], [0, 0, 1, 1], [], []>, transpose_lhs_hint = false} : vector<256x256xf32>, vector<256x8xf32>, vector<256x8xf32> -> vector<256x8xf32>
    %add3A_109 = vector.broadcast %get3A_106 : vector<1x8xf32> to vector<256x8xf32>
    %add3A_110 = arith.addf %add3A_109, %dot_general3A_108 : vector<256x8xf32>
    %swap3A_111 = arith.constant 0 : index
    %swap3A_112 = arith.constant 0 : index
    %swap3A_113 = vector.load %arg10[%swap3A_111, %swap3A_112] : memref<256x8xf32, #tpu.memory_space<vmem>>, vector<256x8xf32>
    tpu.vector_store %arg10[%swap3A_111, %swap3A_112], %add3A_110 {strides = array<i32>} : memref<256x8xf32, #tpu.memory_space<vmem>>, vector<256x8xf32>,
    %get3A_114 = arith.constant 0 : index
    %get3A_115 = arith.constant 0 : index
    %get3A_116 = vector.load %arg12[%get3A_114, %get3A_115] : memref<1x8xf32, #tpu.memory_space<vmem>>, vector<1x8xf32>
    %reduce_sum3A_117 = arith.constant dense<0.000000e+00> : vector<8xf32>
    %reduce_sum3A_118 = vector.multi_reduction <add>, %convert_element_type3A_91, %reduce_sum3A_117 [0] : vector<256x8xf32> to vector<8xf32>
    %broadcast_in_dim3A_119 = vector.shape_cast %reduce_sum3A_118 : vector<8xf32> to vector<1x8xf32>
    %add3A_120 = arith.addf %get3A_116, %broadcast_in_dim3A_119 : vector<1x8xf32>
    %swap3A_121 = arith.constant 0 : index
    %swap3A_122 = arith.constant 0 : index
    %swap3A_123 = vector.load %arg12[%swap3A_121, %swap3A_122] : memref<1x8xf32, #tpu.memory_space<vmem>>, vector<1x8xf32>
    tpu.vector_store %arg12[%swap3A_121, %swap3A_122], %add3A_120 {strides = array<i32>} : memref<1x8xf32, #tpu.memory_space<vmem>>, vector<1x8xf32>,
    %swap3A_124 = arith.constant 0 : index
    %swap3A_125 = arith.constant 0 : index
    %swap3A_126 = vector.load %arg11[%swap3A_124, %swap3A_125] : memref<1x8xf32, #tpu.memory_space<vmem>>, vector<1x8xf32>
    tpu.vector_store %arg11[%swap3A_124, %swap3A_125], %add3A_120 {strides = array<i32>} : memref<1x8xf32, #tpu.memory_space<vmem>>, vector<1x8xf32>,
    return
  }
  func.func @transform_0(%arg0: i32) -> (i32, i32) {
    %c0_i32 = arith.constant 0 : i32
    %c0_i32_0 = arith.constant 0 : i32
    return %arg0, %c0_i32 : i32, i32
  }
  func.func @transform_1(%arg0: i32) -> (i32, i32) {
    %c0_i32 = arith.constant 0 : i32
    %c0_i32_0 = arith.constant 0 : i32
    return %arg0, %c0_i32 : i32, i32
  }
  func.func @transform_2(%arg0: i32) -> (i32, i32) {
    %c0_i32 = arith.constant 0 : i32
    %c0_i32_0 = arith.constant 0 : i32
    %c0_i32_1 = arith.constant 0 : i32
    return %c0_i32, %c0_i32_0 : i32, i32
  }
  func.func @transform_3(%arg0: i32) -> (i32, i32) {
    %c0_i32 = arith.constant 0 : i32
    %c0_i32_0 = arith.constant 0 : i32
    %c0_i32_1 = arith.constant 0 : i32
    return %c0_i32, %c0_i32_0 : i32, i32
  }
  func.func @transform_4(%arg0: i32) -> (i32, i32) {
    %c0_i32 = arith.constant 0 : i32
    %c0_i32_0 = arith.constant 0 : i32
    %c0_i32_1 = arith.constant 0 : i32
    return %c0_i32, %c0_i32_0 : i32, i32
  }
  func.func @transform_5(%arg0: i32) -> (i32, i32) {
    %c0_i32 = arith.constant 0 : i32
    %c0_i32_0 = arith.constant 0 : i32
    return %arg0, %c0_i32 : i32, i32
  }
  func.func @transform_6(%arg0: i32) -> (i32, i32) {
    %c0_i32 = arith.constant 0 : i32
    %c0_i32_0 = arith.constant 0 : i32
    return %arg0, %c0_i32 : i32, i32
  }
  func.func @transform_7(%arg0: i32) -> (i32, i32) {
    %c0_i32 = arith.constant 0 : i32
    %c0_i32_0 = arith.constant 0 : i32
    return %arg0, %c0_i32 : i32, i32
  }
  func.func @transform_8(%arg0: i32) -> (i32, i32) {
    %c0_i32 = arith.constant 0 : i32
    %c0_i32_0 = arith.constant 0 : i32
    return %arg0, %c0_i32 : i32, i32
  }
  func.func @transform_9(%arg0: i32) -> (i32, i32) {
    %c0_i32 = arith.constant 0 : i32
    %c0_i32_0 = arith.constant 0 : i32
    return %arg0, %c0_i32 : i32, i32
  }
  func.func @transform_10(%arg0: i32) -> (i32, i32) {
    %c0_i32 = arith.constant 0 : i32
    %c0_i32_0 = arith.constant 0 : i32
    %c0_i32_1 = arith.constant 0 : i32
    return %c0_i32, %c0_i32_0 : i32, i32
  }
}

module attributes {stable_mosaic.version = 14 : i64} {
  func.func @_moe_ffn_body(%arg0: i32, %arg1: memref<40xi32, #tpu.memory_space<smem>>, %arg2: memref<128x1024xf32, #tpu.memory_space<vmem>>, %arg3: memref<128x1xf32, #tpu.memory_space<vmem>>, %arg4: memref<1x1024x1024xf32, #tpu.memory_space<vmem>>, %arg5: memref<1x1024x1024xf32, #tpu.memory_space<vmem>>, %arg6: memref<1x1024x1024xf32, #tpu.memory_space<vmem>>, %arg7: memref<128x1024xf32, #tpu.memory_space<vmem>>) attributes {dimension_semantics = [#tpu.dimension_semantics<arbitrary>], iteration_bounds = array<i64: 40>, scalar_prefetch = 1 : i64, scratch_operands = 0 : i64, tpu.core_type = #tpu.core_type<tc>, window_params = [{transform_indices = @transform_0, window_bounds = array<i64: 128, 1024>}, {transform_indices = @transform_1, window_bounds = array<i64: 128, 1>}, {transform_indices = @transform_2, window_bounds = array<i64: 1, 1024, 1024>}, {transform_indices = @transform_3, window_bounds = array<i64: 1, 1024, 1024>}, {transform_indices = @transform_4, window_bounds = array<i64: 1, 1024, 1024>}, {transform_indices = @transform_5, window_bounds = array<i64: 128, 1024>}]} {
    %get3A = arith.constant 0 : index
    %get3A_0 = arith.constant 0 : index
    %get3A_1 = vector.load %arg2[%get3A, %get3A_0] : memref<128x1024xf32, #tpu.memory_space<vmem>>, vector<128x1024xf32>
    %get3A_2 = arith.constant 0 : index
    %get3A_3 = arith.constant 0 : index
    %get3A_4 = arith.constant 0 : index
    %get3A_5 = vector.load %arg4[%get3A_2, %get3A_3, %get3A_4] : memref<1x1024x1024xf32, #tpu.memory_space<vmem>>, vector<1x1024x1024xf32>
    %get3A_6 = vector.shape_cast %get3A_5 : vector<1x1024x1024xf32> to vector<1024x1024xf32>
    %dot_general3A = arith.constant dense<0.000000e+00> : vector<128x1024xf32>
    %dot_general3A_7 = tpu.matmul %get3A_1, %get3A_6, %dot_general3A {dimension_numbers = #tpu.dot_dimension_numbers<[1], [0], [0], [1], [0, 0, 1, 1], [], []>, transpose_lhs_hint = false} : vector<128x1024xf32>, vector<1024x1024xf32>, vector<128x1024xf32> -> vector<128x1024xf32>
    %get3A_8 = arith.constant 0 : index
    %get3A_9 = arith.constant 0 : index
    %get3A_10 = arith.constant 0 : index
    %get3A_11 = vector.load %arg5[%get3A_8, %get3A_9, %get3A_10] : memref<1x1024x1024xf32, #tpu.memory_space<vmem>>, vector<1x1024x1024xf32>
    %get3A_12 = vector.shape_cast %get3A_11 : vector<1x1024x1024xf32> to vector<1024x1024xf32>
    %dot_general3A_13 = arith.constant dense<0.000000e+00> : vector<128x1024xf32>
    %dot_general3A_14 = tpu.matmul %get3A_1, %get3A_12, %dot_general3A_13 {dimension_numbers = #tpu.dot_dimension_numbers<[1], [0], [0], [1], [0, 0, 1, 1], [], []>, transpose_lhs_hint = false} : vector<128x1024xf32>, vector<1024x1024xf32>, vector<128x1024xf32> -> vector<128x1024xf32>
    %neg3A = arith.constant 0.000000e+00 : f32
    %neg3A_15 = vector.broadcast %neg3A : f32 to vector<128x1024xf32>
    %neg3A_16 = arith.subf %neg3A_15, %dot_general3A_7 : vector<128x1024xf32>
    %exp3A = math.exp %neg3A_16 : vector<128x1024xf32>
    %add3A = arith.constant 1.000000e+00 : f32
    %add3A_17 = vector.broadcast %add3A : f32 to vector<128x1024xf32>
    %add3A_18 = arith.addf %add3A_17, %exp3A : vector<128x1024xf32>
    %div3A = arith.constant 1.000000e+00 : f32
    %div3A_19 = vector.broadcast %div3A : f32 to vector<128x1024xf32>
    %div3A_20 = arith.divf %div3A_19, %add3A_18 : vector<128x1024xf32>
    %mul3A = arith.mulf %dot_general3A_7, %div3A_20 : vector<128x1024xf32>
    %mul3A_21 = arith.mulf %mul3A, %dot_general3A_14 : vector<128x1024xf32>
    %get3A_22 = arith.constant 0 : index
    %get3A_23 = arith.constant 0 : index
    %get3A_24 = arith.constant 0 : index
    %get3A_25 = vector.load %arg6[%get3A_22, %get3A_23, %get3A_24] : memref<1x1024x1024xf32, #tpu.memory_space<vmem>>, vector<1x1024x1024xf32>
    %get3A_26 = vector.shape_cast %get3A_25 : vector<1x1024x1024xf32> to vector<1024x1024xf32>
    %dot_general3A_27 = arith.constant dense<0.000000e+00> : vector<128x1024xf32>
    %dot_general3A_28 = tpu.matmul %mul3A_21, %get3A_26, %dot_general3A_27 {dimension_numbers = #tpu.dot_dimension_numbers<[1], [0], [0], [1], [0, 0, 1, 1], [], []>, transpose_lhs_hint = false} : vector<128x1024xf32>, vector<1024x1024xf32>, vector<128x1024xf32> -> vector<128x1024xf32>
    %get3A_29 = arith.constant 0 : index
    %get3A_30 = arith.constant 0 : index
    %get3A_31 = vector.load %arg3[%get3A_29, %get3A_30] : memref<128x1xf32, #tpu.memory_space<vmem>>, vector<128x1xf32>
    %mul3A_32 = vector.broadcast %get3A_31 : vector<128x1xf32> to vector<128x1024xf32>
    %mul3A_33 = arith.mulf %dot_general3A_28, %mul3A_32 : vector<128x1024xf32>
    %swap3A = arith.constant 0 : index
    %swap3A_34 = arith.constant 0 : index
    %swap3A_35 = vector.load %arg7[%swap3A, %swap3A_34] : memref<128x1024xf32, #tpu.memory_space<vmem>>, vector<128x1024xf32>
    tpu.vector_store %arg7[%swap3A, %swap3A_34], %mul3A_33 {strides = array<i32>} : memref<128x1024xf32, #tpu.memory_space<vmem>>, vector<128x1024xf32>,
    return
  }
  func.func @transform_0(%arg0: i32, %arg1: memref<40xi32, #tpu.memory_space<smem>>) -> (i32, i32) {
    %c0_i32 = arith.constant 0 : i32
    %c0_i32_0 = arith.constant 0 : i32
    return %arg0, %c0_i32 : i32, i32
  }
  func.func @transform_1(%arg0: i32, %arg1: memref<40xi32, #tpu.memory_space<smem>>) -> (i32, i32) {
    %c0_i32 = arith.constant 0 : i32
    %c0_i32_0 = arith.constant 0 : i32
    return %arg0, %c0_i32 : i32, i32
  }
  func.func @transform_2(%arg0: i32, %arg1: memref<40xi32, #tpu.memory_space<smem>>) -> (i32, i32, i32) {
    %get3A = arith.index_cast %arg0 : i32 to index
    %get3A_0 = memref.load %arg1[%get3A] : memref<40xi32, #tpu.memory_space<smem>>
    %c0_i32 = arith.constant 0 : i32
    %c0_i32_1 = arith.constant 0 : i32
    %c0_i32_2 = arith.constant 0 : i32
    return %get3A_0, %c0_i32, %c0_i32_1 : i32, i32, i32
  }
  func.func @transform_3(%arg0: i32, %arg1: memref<40xi32, #tpu.memory_space<smem>>) -> (i32, i32, i32) {
    %get3A = arith.index_cast %arg0 : i32 to index
    %get3A_0 = memref.load %arg1[%get3A] : memref<40xi32, #tpu.memory_space<smem>>
    %c0_i32 = arith.constant 0 : i32
    %c0_i32_1 = arith.constant 0 : i32
    %c0_i32_2 = arith.constant 0 : i32
    return %get3A_0, %c0_i32, %c0_i32_1 : i32, i32, i32
  }
  func.func @transform_4(%arg0: i32, %arg1: memref<40xi32, #tpu.memory_space<smem>>) -> (i32, i32, i32) {
    %get3A = arith.index_cast %arg0 : i32 to index
    %get3A_0 = memref.load %arg1[%get3A] : memref<40xi32, #tpu.memory_space<smem>>
    %c0_i32 = arith.constant 0 : i32
    %c0_i32_1 = arith.constant 0 : i32
    %c0_i32_2 = arith.constant 0 : i32
    return %get3A_0, %c0_i32, %c0_i32_1 : i32, i32, i32
  }
  func.func @transform_5(%arg0: i32, %arg1: memref<40xi32, #tpu.memory_space<smem>>) -> (i32, i32) {
    %c0_i32 = arith.constant 0 : i32
    %c0_i32_0 = arith.constant 0 : i32
    return %arg0, %c0_i32 : i32, i32
  }
}

module attributes {stable_mosaic.version = 14 : i64} {
  func.func @_shared_ffn_body(%arg0: i32, %arg1: memref<256x1024xf32, #tpu.memory_space<vmem>>, %arg2: memref<256x1024xf32, #tpu.memory_space<vmem>>, %arg3: memref<256x1024xf32, #tpu.memory_space<vmem>>, %arg4: memref<1024x1024xf32, #tpu.memory_space<vmem>>, %arg5: memref<1024x1024xf32, #tpu.memory_space<vmem>>, %arg6: memref<1024x1024xf32, #tpu.memory_space<vmem>>, %arg7: memref<256x1024xf32, #tpu.memory_space<vmem>>) attributes {dimension_semantics = [#tpu.dimension_semantics<arbitrary>], iteration_bounds = array<i64: 8>, scalar_prefetch = 0 : i64, scratch_operands = 0 : i64, tpu.core_type = #tpu.core_type<tc>, window_params = [{transform_indices = @transform_0, window_bounds = array<i64: 256, 1024>}, {transform_indices = @transform_1, window_bounds = array<i64: 256, 1024>}, {transform_indices = @transform_2, window_bounds = array<i64: 256, 1024>}, {pipeline_mode = #tpu.pipeline_mode<synchronous>, transform_indices = @transform_3, window_bounds = array<i64: 1024, 1024>}, {pipeline_mode = #tpu.pipeline_mode<synchronous>, transform_indices = @transform_4, window_bounds = array<i64: 1024, 1024>}, {pipeline_mode = #tpu.pipeline_mode<synchronous>, transform_indices = @transform_5, window_bounds = array<i64: 1024, 1024>}, {transform_indices = @transform_6, window_bounds = array<i64: 256, 1024>}]} {
    %get3A = arith.constant 0 : index
    %get3A_0 = arith.constant 0 : index
    %get3A_1 = vector.load %arg2[%get3A, %get3A_0] : memref<256x1024xf32, #tpu.memory_space<vmem>>, vector<256x1024xf32>
    %get3A_2 = arith.constant 0 : index
    %get3A_3 = arith.constant 0 : index
    %get3A_4 = vector.load %arg4[%get3A_2, %get3A_3] : memref<1024x1024xf32, #tpu.memory_space<vmem>>, vector<1024x1024xf32>
    %dot_general3A = arith.constant dense<0.000000e+00> : vector<256x1024xf32>
    %dot_general3A_5 = tpu.matmul %get3A_1, %get3A_4, %dot_general3A {dimension_numbers = #tpu.dot_dimension_numbers<[1], [0], [0], [1], [0, 0, 1, 1], [], []>, transpose_lhs_hint = false} : vector<256x1024xf32>, vector<1024x1024xf32>, vector<256x1024xf32> -> vector<256x1024xf32>
    %get3A_6 = arith.constant 0 : index
    %get3A_7 = arith.constant 0 : index
    %get3A_8 = vector.load %arg5[%get3A_6, %get3A_7] : memref<1024x1024xf32, #tpu.memory_space<vmem>>, vector<1024x1024xf32>
    %dot_general3A_9 = arith.constant dense<0.000000e+00> : vector<256x1024xf32>
    %dot_general3A_10 = tpu.matmul %get3A_1, %get3A_8, %dot_general3A_9 {dimension_numbers = #tpu.dot_dimension_numbers<[1], [0], [0], [1], [0, 0, 1, 1], [], []>, transpose_lhs_hint = false} : vector<256x1024xf32>, vector<1024x1024xf32>, vector<256x1024xf32> -> vector<256x1024xf32>
    %neg3A = arith.constant 0.000000e+00 : f32
    %neg3A_11 = vector.broadcast %neg3A : f32 to vector<256x1024xf32>
    %neg3A_12 = arith.subf %neg3A_11, %dot_general3A_5 : vector<256x1024xf32>
    %exp3A = math.exp %neg3A_12 : vector<256x1024xf32>
    %add3A = arith.constant 1.000000e+00 : f32
    %add3A_13 = vector.broadcast %add3A : f32 to vector<256x1024xf32>
    %add3A_14 = arith.addf %add3A_13, %exp3A : vector<256x1024xf32>
    %div3A = arith.constant 1.000000e+00 : f32
    %div3A_15 = vector.broadcast %div3A : f32 to vector<256x1024xf32>
    %div3A_16 = arith.divf %div3A_15, %add3A_14 : vector<256x1024xf32>
    %mul3A = arith.mulf %dot_general3A_5, %div3A_16 : vector<256x1024xf32>
    %mul3A_17 = arith.mulf %mul3A, %dot_general3A_10 : vector<256x1024xf32>
    %get3A_18 = arith.constant 0 : index
    %get3A_19 = arith.constant 0 : index
    %get3A_20 = vector.load %arg6[%get3A_18, %get3A_19] : memref<1024x1024xf32, #tpu.memory_space<vmem>>, vector<1024x1024xf32>
    %dot_general3A_21 = arith.constant dense<0.000000e+00> : vector<256x1024xf32>
    %dot_general3A_22 = tpu.matmul %mul3A_17, %get3A_20, %dot_general3A_21 {dimension_numbers = #tpu.dot_dimension_numbers<[1], [0], [0], [1], [0, 0, 1, 1], [], []>, transpose_lhs_hint = false} : vector<256x1024xf32>, vector<1024x1024xf32>, vector<256x1024xf32> -> vector<256x1024xf32>
    %get3A_23 = arith.constant 0 : index
    %get3A_24 = arith.constant 0 : index
    %get3A_25 = vector.load %arg1[%get3A_23, %get3A_24] : memref<256x1024xf32, #tpu.memory_space<vmem>>, vector<256x1024xf32>
    %add3A_26 = arith.addf %dot_general3A_22, %get3A_25 : vector<256x1024xf32>
    %get3A_27 = arith.constant 0 : index
    %get3A_28 = arith.constant 0 : index
    %get3A_29 = vector.load %arg3[%get3A_27, %get3A_28] : memref<256x1024xf32, #tpu.memory_space<vmem>>, vector<256x1024xf32>
    %add3A_30 = arith.addf %add3A_26, %get3A_29 : vector<256x1024xf32>
    %swap3A = arith.constant 0 : index
    %swap3A_31 = arith.constant 0 : index
    %swap3A_32 = vector.load %arg7[%swap3A, %swap3A_31] : memref<256x1024xf32, #tpu.memory_space<vmem>>, vector<256x1024xf32>
    tpu.vector_store %arg7[%swap3A, %swap3A_31], %add3A_30 {strides = array<i32>} : memref<256x1024xf32, #tpu.memory_space<vmem>>, vector<256x1024xf32>,
    return
  }
  func.func @transform_0(%arg0: i32) -> (i32, i32) {
    %c0_i32 = arith.constant 0 : i32
    %c0_i32_0 = arith.constant 0 : i32
    return %arg0, %c0_i32 : i32, i32
  }
  func.func @transform_1(%arg0: i32) -> (i32, i32) {
    %c0_i32 = arith.constant 0 : i32
    %c0_i32_0 = arith.constant 0 : i32
    return %arg0, %c0_i32 : i32, i32
  }
  func.func @transform_2(%arg0: i32) -> (i32, i32) {
    %c0_i32 = arith.constant 0 : i32
    %c0_i32_0 = arith.constant 0 : i32
    return %arg0, %c0_i32 : i32, i32
  }
  func.func @transform_3(%arg0: i32) -> (i32, i32) {
    %c0_i32 = arith.constant 0 : i32
    %c0_i32_0 = arith.constant 0 : i32
    %c0_i32_1 = arith.constant 0 : i32
    return %c0_i32, %c0_i32_0 : i32, i32
  }
  func.func @transform_4(%arg0: i32) -> (i32, i32) {
    %c0_i32 = arith.constant 0 : i32
    %c0_i32_0 = arith.constant 0 : i32
    %c0_i32_1 = arith.constant 0 : i32
    return %c0_i32, %c0_i32_0 : i32, i32
  }
  func.func @transform_5(%arg0: i32) -> (i32, i32) {
    %c0_i32 = arith.constant 0 : i32
    %c0_i32_0 = arith.constant 0 : i32
    %c0_i32_1 = arith.constant 0 : i32
    return %c0_i32, %c0_i32_0 : i32, i32
  }
  func.func @transform_6(%arg0: i32) -> (i32, i32) {
    %c0_i32 = arith.constant 0 : i32
    %c0_i32_0 = arith.constant 0 : i32
    return %arg0, %c0_i32 : i32, i32
  }
}

</mosaic_0001>

<sc_bundles>
// kernel: gather_offload_async_start.1
scs
__scs_entry_jumppad:
0x0: {  	(pc) =	sbr.rel $0x88, $3  }
0x1: {  	(tag) =	ssettag $0x0;
	lr =	simm.s32 $0x1  }
0x2: {  	[smem:$0x3F91] =	sst lr;
	_ =	strace $0xD0000000  }
0x3: {  	_ = 	snop  }
0x4: {  	_ = 	snop  }
0x5: {  	_ = 	snop  }
0x6: {  	_ = 	snop  }
0x7: {  	_ = 	snop  }
__scs_overlays_trampoline_lowered:
0x8: {  	[smem:$0x3FA0] =	sst s0  }
0x9: {  	[smem:$0x3FA1] =	sst s1  }
0xa: {  	[smem:$0x3FA2] =	sst s2  }
0xb: {  	[smem:$0x3FA3] =	sst s3  }
0xc: {  	[smem:$0x3FA4] =	sst s4  }
0xd: {  	[smem:$0x3FA5] =	sst s5  }
0xe: {  	[smem:$0x3FA6] =	sst s6  }
0xf: {  	[smem:$0x3FA7] =	sst s7  }
0x10: {  	[smem:$0x3FA8] =	sst s8  }
0x11: {  	[smem:$0x3FA9] =	sst s9;
	s0 =	simm.s32 @!p0 $0x0  }
0x12: {  	s1 =	sld [smem:$0x3F8F];
	s0 =	simm.s32 @p0 $0x1  }
0x13: {  	[smem:$0x3FAA] =	sst s0;
	s0 =	simm.s32 @!p1 $0x0  }
0x14: {  	s2 =	sld [smem:$0x3F8E];
	s0 =	simm.s32 @p1 $0x1  }
0x15: {  	[smem:$0x3FAB] =	sst s0;
	s0 =	simm.s32 @!p2 $0x0  }
0x16: {  	s3 =	sld [smem:$0x3FDB];
	s0 =	simm.s32 @p2 $0x1  }
0x17: {  	s4 =	simm.s32 $0x1BF5;
	[smem:$0x3FAD] =	sst s0  }
0x18: {  	s0 =	sld [smem:$0x3F90];
	_ =	swait.ge [sflag:s4], $0x0  }
0x19: {  	s7 =	sld [smem:$0x3F91]  }
0x1a: {  	s8 =	sadd.s32 $0xFFFFE003, lr  }
0x1b: {  	s9 =	sadd.s32 $0xFFFFFEF7, lr;
	s5 =	simm.s32 $0xFFFFFFFF;
	p2 =	slt.u32 s8, $0xFFFFF086  }
0x1c: {  	p1 =	slt.u32 s9, $0xF7A;
	s5 =	simm.s32 @!p2 $0x0  }
0x1d: {  	s5 =	simm.s32 @p1 $0x1;
	p0 =	seq.s32 s7, s2  }
0x1e: {  	s7 =	smul.u32 @!p0 $0xF7A, s2;
	p2 =	seq.s32 @!p0 s5, $0x0  }
0x1f: {  	s9 =	smul.u32 $0xF7A, s1;
	s8 =	simm.s32 @!p0 $0x1BF5;
	p2 =	por !p2, p0  }
0x20: {  	[sflag:s8] =	ssyncset.s32 @!p0 $0xFFFFF086;
	s6 =	sadd.s32 @!p0 s3, s7;
	s7 =	simm.s32 @!p0 $0x108  }
0x21: {  	s3 =	sadd.s32 s3, s9;
	s6 =	sadd.s32 @!p0 $0x88, s6;
	s7 =	simm.s32 @p2 $0x1082  }
0x22: {  	[simem:s7], [sflag:s8] =	dma.local @!p0 [hbm:s6], $0xF7A  }
0x23: {  	s9 =	sor.u32 $0xD0000000, s2;
	s6 =	simm.s32 $0x108;
	_ =	swait.ge @!p0 [sflag:s8], $0x0  }
0x24: {  	s3 =	sadd.s32 $0x88, s3;
	s6 =	simm.s32 @!p1 $0x1082;
	[sflag:s4] =	ssyncset.s32 $0xFFFFF086  }
0x25: {  	[simem:s6], [sflag:s4] =	dma.local [hbm:s3], $0xF7A  }
0x26: {  	[smem:$0x3F91] =	sst s1;
	(tag) =	ssettag s2;
	_ =	strace s9  }
0x27: {  	s1 =	sld [smem:$0x3FA1]  }
0x28: {  	s2 =	sld [smem:$0x3FA2]  }
0x29: {  	s4 =	sld [smem:$0x3FA4]  }
0x2a: {  	p0 =	seq.s32 s5, $0x0;
	s5 =	sld [smem:$0x3FA5]  }
0x2b: {  	s6 =	sld [smem:$0x3FA6]  }
0x2c: {  	s7 =	sld [smem:$0x3FA7]  }
0x2d: {  	s3 =	simm.s32 $0x108;
	s8 =	sld [smem:$0x3FA8]  }
0x2e: {  	s3 =	simm.s32 @!p0 $0x1082;
	s9 =	sld [smem:$0x3FA9]  }
0x2f: {  	lr =	sadd.s32 s0, s3;
	s0 =	sld [smem:$0x3FA0]  }
0x30: {  	s3 =	sld [smem:$0x3FA3]  }
0x31: {  	[smem:$0x3FAC] =	sst s10  }
0x32: {  	s10 =	sld [smem:$0x3FAA];
	_ =	sdelay $0x3  }
0x33: {  	p0 =	seq.s32 s10, $0x1;
	s10 =	sld [smem:$0x3FAC];
	_ =	sdelay $0x3  }
0x34: {  	[smem:$0x3FAC] =	sst s10  }
0x35: {  	s10 =	sld [smem:$0x3FAB];
	_ =	sdelay $0x3  }
0x36: {  	p1 =	seq.s32 s10, $0x1;
	s10 =	sld [smem:$0x3FAC];
	_ =	sdelay $0x3  }
0x37: {  	[smem:$0x3FAC] =	sst s10  }
0x38: {  	s10 =	sld [smem:$0x3FAD]  }
0x39: {  	_ = 	snop;
	(pc) =	sbr.ind lr, $3  }
0x3a: {  	_ = 	snop  }
0x3b: {  	_ = 	snop  }
0x3c: {  	p2 =	seq.s32 s10, $0x1;
	s10 =	sld [smem:$0x3FAC]  }
0x3d: {  	_ =	shalt  }
0x3e: {  	_ =	shalt  }
0x3f: {  	_ =	shalt  }
0x40: {  	_ =	shalt  }
0x41: {  	_ =	shalt  }
0x42: {  	_ =	shalt  }
0x43: {  	_ =	shalt  }
0x44: {  	_ =	shalt  }
0x45: {  	_ =	shalt  }
0x46: {  	_ =	shalt  }
0x47: {  	_ =	shalt  }
0x48: {  	_ =	shalt  }
0x49: {  	_ =	shalt  }
0x4a: {  	_ =	shalt  }
0x4b: {  	_ =	shalt  }
0x4c: {  	_ =	shalt  }
0x4d: {  	_ =	shalt  }
0x4e: {  	_ =	shalt  }
0x4f: {  	_ =	shalt  }
0x50: {  	_ =	shalt  }
0x51: {  	_ =	shalt  }
0x52: {  	_ =	shalt  }
0x53: {  	_ =	shalt  }
0x54: {  	_ =	shalt  }
0x55: {  	_ =	shalt  }
0x56: {  	_ =	shalt  }
0x57: {  	_ =	shalt  }
0x58: {  	_ =	shalt  }
0x59: {  	_ =	shalt  }
0x5a: {  	_ =	shalt  }
0x5b: {  	_ =	shalt  }
0x5c: {  	_ =	shalt  }
0x5d: {  	_ =	shalt  }
0x5e: {  	_ =	shalt  }
0x5f: {  	_ =	shalt  }
0x60: {  	_ =	shalt  }
0x61: {  	_ =	shalt  }
0x62: {  	_ =	shalt  }
0x63: {  	_ =	shalt  }
0x64: {  	_ =	shalt  }
0x65: {  	_ =	shalt  }
0x66: {  	_ =	shalt  }
0x67: {  	_ =	shalt  }
0x68: {  	_ =	shalt  }
0x69: {  	_ =	shalt  }
0x6a: {  	_ =	shalt  }
0x6b: {  	_ =	shalt  }
0x6c: {  	_ =	shalt  }
0x6d: {  	_ =	shalt  }
0x6e: {  	_ =	shalt  }
0x6f: {  	_ =	shalt  }
0x70: {  	_ =	shalt  }
0x71: {  	_ =	shalt  }
0x72: {  	_ =	shalt  }
0x73: {  	_ =	shalt  }
0x74: {  	_ =	shalt  }
0x75: {  	_ =	shalt  }
0x76: {  	_ =	shalt  }
0x77: {  	_ =	shalt  }
0x78: {  	_ =	shalt  }
0x79: {  	_ =	shalt  }
0x7a: {  	_ =	shalt  }
0x7b: {  	_ =	shalt  }
0x7c: {  	_ =	shalt  }
0x7d: {  	_ =	shalt  }
0x7e: {  	_ =	shalt  }
0x7f: {  	_ =	shalt  }
0x80: {  	_ =	shalt  }
0x81: {  	_ =	shalt  }
0x82: {  	_ =	shalt  }
0x83: {  	_ =	shalt  }
0x84: {  	_ =	shalt  }
0x85: {  	_ =	shalt  }
0x86: {  	_ =	shalt  }
0x87: {  	_ =	shalt  }
.Lfunc_end0:
.L_simem_size_0:
called_computation.1_lowered:
.L_overlay_start_0:
0x88: {  	s2 =	sld [smem:$0x3FD9]  }
0x89: {  	s3 =	sld [smem:$0x3FFE];
	_ =	sdelay $0x1  }
0x8a: {  	s1 =	srdreg.scid  }
0x8b: {  	s0 =	sand.u32 $0x1, s1  }
0x8c: {  	s16 =	sshll.u32 s0, $0xA;
	s2 =	sadd.s32 s3, s2  }
0x8d: {  	s2 =	sadd.s32 s2, s16  }
0x8e: {  	[smem:$0x3FB8] =	sst s2  }
0x8f: {  	_ = 	snop  }
0x90: {  	(tm) =	ssettm $0x1  }
0x91: {  	s17 =	sld [smem:$0x3FFB];
	_ =	sdelay $0x3  }
0x92: {  	_ =	strace s17  }
0x93: {  	s2 =	sld [smem:$0x3FFC];
	_ =	sdelay $0x3  }
0x94: {  	_ =	strace s2  }
0x95: {  	s2 =	sld [smem:$0x3FFD];
	_ =	sdelay $0x3  }
0x96: {  	_ =	strace s2  }
0x97: {  	_ =	strace $0x8FFFFFFF  }
0x98: {  	s18 =	sld [smem:$0x3FDB];
	_ =	sdelay $0x1  }
0x99: {  	s19 =	simm.s32 $_scs_section_size  }
0x9a: {  	s4 =	simm.s32 $_size__tile_overlayer_lowered;
	s5 =	simm.s32 $_tile_overlayer_lowered  }
0x9b: {  	s22 =	simm.s32 $0x1BFF;
	s21 =	sshll.u32 s5, $0x1;
	s2 =	sadd.s32 s19, s18  }
0x9c: {  	s6 =	simm.s32 $0x0;
	s20 =	sshll.u32 s4, $0x1;
	s4 =	sadd.s32 s21, s2  }
0x9d: {  	[timem:s6], [sflag:s22] =	dma.local [hbm:s4], s20  }
0x9e: {  	_ =	swait.ge [sflag:s22], s20  }
0x9f: {  	s3 =	ssub.s32 $0x0, s20;
	[sflag:s22] =	ssyncset.done $0x0  }
0xa0: {  	[sflag:s22] =	ssyncadd.s32 s3;
	_ =	sdelay $0x1  }
0xa1: {  	s23 =	simm.s32 $0x1B8B  }
0xa2: {  	_ =	swait.ge [sflag:s23], $0x1  }
0xa3: {  	[sflag:s23] =	ssyncset.done $0x0  }
0xa4: {  	s25 =	simm.s32 $0x1B8E;
	s24 =	sld [smem:$0x3FFE];
	[sflag:s23] =	ssyncadd.s32 $0xFFFFFFFF  }
0xa5: {  	s26 =	simm.s32 $execute0_lowered;
	[smem:$0x3FD2] =	sst s25  }
0xa6: {  	s4 =	sshll.u32 s26, $0x1;
	_ =	strace $0x80000046;
	[dreg:$0x1] =	wrdreg $0xFFFFFFFF  }
0xa7: {  	s28 =	simm.s32 $_size_execute0_lowered;
	s2 =	sadd.s32 s2, s4;
	[dreg:$0x0] =	wrdreg $0x0  }
0xa8: {  	s4 =	sshll.u32 s28, $0x1;
	[dreg:$0x2] =	wrdreg s2  }
0xa9: {  	[dreg:$0x3] =	wrdreg s4  }
0xaa: {  	[dreg:$0x4] =	wrdreg $0xC0  }
0xab: {  	_ =	task [dreg:s6], $0x5FFFF  }
0xac: {  	[dreg:$0x1] =	wrdreg $0xFFFFFFFF  }
0xad: {  	[dreg:$0x0] =	wrdreg $0x60  }
0xae: {  	[dreg:$0x2] =	wrdreg s24  }
0xaf: {  	[dreg:$0x3] =	wrdreg $0xA  }
0xb0: {  	_ =	task.clear_ibuf [dreg:s6], $0x4FFFF;
	_ =	strace $0x90000046  }
0xb1: {  	s29 =	simm.s32 $0xA;
	_ =	strace $0x80000048  }
0xb2: {  	_ =	swait.ge [sflag:s29], $0x1  }
0xb3: {  	[sflag:s29] =	ssyncadd.s32 $0xFFFFFFFF  }
0xb4: {  	_ =	strace $0x90000048  }
0xb5: {  	_ =	sfence  }
0xb6: {  	s30 =	sld [smem:$0x0];
	_ =	sdelay $0x2  }
0xb7: {  	s31 =	sshll.u32 s1, $0xD;
	s1 =	sshrl.u32 s1, $0x2  }
0xb8: {  	s3 =	sand.u32 $0x4000, s31;
	s1 =	sadd.s32 s1, s30  }
0xb9: {  	s0 =	sor.u32 s3, s0;
	s1 =	sshll.u32 s1, $0x11  }
0xba: {  	s0 =	sor.u32 s1, s0  }
0xbb: {  	s0 =	sadd.s32 $0x8F2B, s0  }
0xbc: {  	[sflag:s0] =	ssyncadd.remote.s32 $0x1  }
0xbd: {  	_ =	sfence.sel $0xFFFF  }
0xbe: {  	[dreg:$0x0] =	wrdreg $0xFFFFFFFF;
	(pc) =	sbr.abs _section_cstart, $3  }
0xbf: {  	[dreg:$0x1] =	wrdreg $0xFFFFFFFF  }
0xc0: {  	_ =	task.clear_ibuf [dreg:s6], $0x2FFFF;
	_ =	strace $0x9FFFFFFF  }
0xc1: {  	(tm) =	ssettm $0x7FFFFFFF  }
tec
execute0_lowered:
.L_overlay_start_1:
0x0: {  	(tag) =	ssettag $0x1  }
0x1: {  	s7 =	rddreg [dreg:$0x0]  }
0x2: {  	s0 =	rddreg [dreg:$0x1];
	_ =	strace $0x80000047  }
0x3: {  	s1 =	srdreg.scid;
	s4 =	simm.s32 $0x1;
	s9 =	simm.s32 $0x3  }
0x4: {  	s11 =	simm.s32 $0x0;
	p0 =	por $0x0, $0x0;
	s5 =	sshll.u32 s1, $0x4  }
.Ltmp0:
0x5: {  	s1 =	stileid.u32;
	s5 =	sand.u32 $0x10, s5;
	(pc) =	sbr.rel .LBB2_1-.Ltmp0, $4  }
0x6: {  	s2 =	sadd.s32 $0xE6800, s7;
	s3 =	sadd.s32 $0x46400, s7;
	s6 =	sor.u32 s1, s5  }
0x7: {  	[sflag:s4] =	ssyncpa.u1 $0x0;
	s5 =	simm.s32 $0x2;
	s6 =	sshll.u32 s6, $0x6  }
0x8: {  	s7 =	sadd.s32 $0x46800, s7;
	[sflag:s5] =	ssyncpa.u1 $0x0;
	s8 =	sadd.s32 $0x40, s6  }
0x9: {  	vm0 =	vmmov $0xff;
	vm1 =	vcmask $0x3F20;
	[sflag:s9] =	ssyncpa.u1 $0x0;
	s10 =	smov.u32 s6;
	s9 =	simm.s32 $0x0  }
.LBB2_9:
0xa: {  	p1 =	slt.u32 s9, $0x2;
	s11 =	sadd.s32 $0x20, s10  }
0xb: {  	s13 =	smov.u32 s6;
	s9 =	sadd.s32 $0x1, s9;
	p2 =	slt.s32 s11, s8  }
0xc: {  	s13 =	smov.u32 @p2 s11;
	p2 =	sne.s32 s9, $0x4  }
.Ltmp1:
0xd: {  	_ = 	snop;
	(pc) =	sbr.rel @!p2 .LBB2_10-.Ltmp1, $4  }
0xe: {  	s12 =	simm.s32 @!p1 $0x3  }
0xf: {  	_ =	swait.ge @!p1 [sflag:s12], $0x8000  }
0x10: {  	p0 =	por !p0, !p0;
	[sflag:s12] =	ssyncset.done @!p1 $0x0  }
0x11: {  	s11 =	smov.u32 s10;
	s10 =	smov.u32 s13;
	[sflag:s12] =	ssyncadd.s32 @!p1 $0xFFFF8000  }
.LBB2_1:
0x12: {  	p1 =	sgt.u32 s9, $0x1  }
0x13: {  	s12 =	sshll.u32 @!p1 s9, $0x5;
	s13 =	sshrl.u32 @!p1 s10, $0x3  }
0x14: {  	s14 =	sand.u32 @!p1 $0x7, s10;
	s12 =	sxor.u32 @!p1 $0x20, s12;
	s13 =	sadd.s32 @!p1 s3, s13  }
0x15: {  	[tilespmem:s12], [sflag:$0x2] =	stream.linear.gather @!p1 [hbm4b:s13+s14], $0x20, $0x38;
	[tilespmem:$0x10040] =	vst v63  }
0x16: {  	p1 =	seq.s32 s9, $0x0  }
0x17: {  	p2 =	seq.s32 @!p1 s9, $0x3  }
0x18: {  	p1 =	por p1, p2  }
.Ltmp2:
0x19: {  	_ = 	snop;
	(pc) =	sbr.rel @p1 .LBB2_9-.Ltmp2, $1  }
0x1a: {  	_ =	sdelay $0x3  }
0x1b: {  	s12 =	simm.s32 $0x1  }
0x1c: {  	_ =	swait.ge [sflag:s5], $0x20;
	s13 =	sand.u32 $0x1, s9;
	s12 =	simm.s32 @!p0 $0x0  }
0x1d: {  	s15 =	simm.s32 $0x0;
	p2 =	por $0x1, $0x1;
	s12 =	sshll.u32 s12, $0x11  }
0x1e: {  	[sflag:s5] =	ssyncset.done $0x0;
	s13 =	sshll.u32 s13, $0x5;
	s14 =	sshrl.u32 s12, $0x2  }
0x1f: {  	[sflag:s5] =	ssyncadd.s32 $0xFFFFFFE0;
	s12 =	sor.u32 $0x40, s14;
	s14 =	sadd.s32 $0x40, s14  }
.LBB2_3:
0x20: {  	s16 =	sshll.u32 s15, $0x4  }
0x21: {  	s16 =	sand.u32 $0x3FFFFFF0, s16  }
0x22: {  	s16 =	sadd.s32 s16, s13  }
0x23: {  	v0 =	vld.msk [tilespmem:s16+$0x0 ss:$0x1], $0xffff;
	_ =	sdelay $0x4  }
0x24: {  	vm2 =	vgt.s32 v0, $0x0  }
0x25: {  	v0 =	vnsel vm2, $0x0, v0  }
0x26: {  	v0 =	vmin.u32 v0, $0x13FF  }
0x27: {  	v1 =	vshll.u32 v0, $0x7;
	v0 =	vshll.u32 v0, $0x4  }
0x28: {  	v1 =	vand.u32 $0xFFC00, v1;
	v0 =	vand.u32 $0x70, v0  }
0x29: {  	v0 =	vor.u32 v0, v1  }
0x2a: {  	s31 =	sshll.u32 s15, $0x10  }
0x2b: {  	s15 =	sshra.s32 s31, $0x2  }
0x2c: {  	s15 =	sadd.s32 s15, s14  }
0x2d: {  	s17 =	sadd.s32 $0x0, s15  }
0x2e: {  	[tilespmem:s17], [sflag:$0x1] =	stream.indirect_vreg.gather [hbm:s2], $0x80, v0, vm0, $0x38;
	[tilespmem:$0x10040] =	vst v63  }
0x2f: {  	p1 =	por p2, p2;
	s16 =	simm.s32 $0x1000;
	v1 =	vadd.s32 $0x80, v0;
	s17 =	sadd.s32 $0x2000, s17  }
.LBB2_4:
0x30: {  	[tilespmem:s17], [sflag:$0x1] =	stream.indirect_vreg.gather [hbm:s2], $0x80, v0, vm1, $0x38;
	[tilespmem:$0x10040] =	vst v63  }
0x31: {  	v0 =	vmov v1;
	s17 =	smov.u32 s16;
	p2 =	sne.s32 s16, $0x7000  }
.Ltmp3:
0x32: {  	s16 =	sadd.s32 $0x1000, s16;
	(pc) =	sbr.rel @p2 .LBB2_4-.Ltmp3, $4  }
0x33: {  	s17 =	sshra.s32 s17, $0x2  }
0x34: {  	s17 =	sadd.s32 s17, s15  }
0x35: {  	[tilespmem:s17], [sflag:$0x1] =	stream.indirect_vreg.gather [hbm:s2], $0x80, v1, vm0, $0x38;
	[tilespmem:$0x10040] =	vst v63  }
0x36: {  	s17 =	sadd.s32 $0x2000, s17;
	v1 =	vadd.s32 $0x80, v1  }
0x37: {  	_ = 	snop  }
.Ltmp4:
0x38: {  	_ = 	snop;
	(pc) =	sbr.rel @p1 .LBB2_3-.Ltmp4, $3  }
0x39: {  	_ =	sdelay $0x1  }
0x3a: {  	[tilespmem:s17], [sflag:$0x1] =	stream.indirect_vreg.gather [hbm:s2], $0x80, v0, vm1, $0x38;
	[tilespmem:$0x10040] =	vst v63  }
0x3b: {  	s15 =	simm.s32 $0x1;
	p2 =	por $0x0, $0x0  }
0x3c: {  	s13 =	sshll.u32 s11, $0x7  }
0x3d: {  	s31 =	sshll.u32 s11, $0x4;
	s13 =	sand.u32 $0xFFFFFC00, s13  }
0x3e: {  	_ =	swait.ge [sflag:s4], $0x8000;
	s11 =	sand.u32 $0x70, s31;
	s13 =	sadd.s32 s13, s7  }
0x3f: {  	s14 =	sadd.s32 $0x2000, s12;
	[sflag:s4] =	ssyncset.done $0x0;
	s11 =	sadd.s32 s11, s13  }
0x40: {  	[sflag:s4] =	ssyncadd.s32 $0xFFFF8000;
	s13 =	simm.s32 $0x400;
	s15 =	sadd.s32 $0x0, s11  }
.LBB2_7:
0x41: {  	[hbm:s15] =	stream.linear.scatter [tilespmem:s12], [sflag:$0x3], $0x2000, $0x38;
	[tilespmem:$0x10040] =	vst v63  }
0x42: {  	s15 =	smov.u32 s13;
	s12 =	smov.u32 s14;
	p1 =	sne.s32 s13, $0xC00  }
.Ltmp5:
0x43: {  	s13 =	sadd.s32 $0x400, s13;
	(pc) =	sbr.rel @p1 .LBB2_7-.Ltmp5, $2  }
0x44: {  	_ =	sdelay $0x2  }
0x45: {  	s14 =	sadd.s32 $0x2000, s14;
	s15 =	sadd.s32 s15, s11  }
.Ltmp6:
0x46: {  	(pc) =	sbr.rel .LBB2_9-.Ltmp6, $2  }
0x47: {  	_ =	sdelay $0x2  }
0x48: {  	[hbm:s15] =	stream.linear.scatter [tilespmem:s12], [sflag:$0x3], $0x2000, $0x38;
	[tilespmem:$0x10040] =	vst v63  }
.LBB2_10:
0x49: {  	_ =	sfence.sel $0x180000  }
0x4a: {  	s2 =	simm.s32 $0x2;
	[bflag:$0x0] =	sbarrier.arrive $0xFFFF  }
0x4b: {  	s30 =	simm.s32 $0x3;
	[sflag:s2] =	ssyncpa.u1 $0x1  }
0x4c: {  	s31 =	simm.s32 $0x1;
	[sflag:s30] =	ssyncpa.u1 $0x1  }
0x4d: {  	[sflag:s31] =	ssyncpa.u1 $0x1  }
0x4e: {  	p0 =	sne.s32 s1, $0x0;
	_ =	strace $0x90000047  }
0x4f: {  	s0 =	sadd.s32 @!p0 $0x100000, s0;
	[bflag:$0x2] =	sbarrier.arrive $0xFFFF  }
0x50: {  	[sflag:s0] =	ssyncadd.tile.s32 @!p0 $0x1;
	_ =	shalt  }
.Lfunc_end2:
_tile_overlayer_lowered:
.L_overlay_start_2:
0x51: {  	(tag) =	ssettag $0x2  }
0x52: {  	s0 =	rddreg [dreg:$0x0];
	s2 =	stileid.u32  }
0x53: {  	s1 =	rddreg [dreg:$0x1];
	p0 =	sne.s32 s2, $0x0  }
0x54: {  	s3 =	rddreg [dreg:$0x2];
	[bflag:$0x3] =	sbarrier.arrive $0xFFFF;
	s2 =	simm.s32 @!p0 $0x1C01  }
0x55: {  	[timem:s3], [sflag:s2] =	dma.local @!p0 [hbm:s0], s1  }
0x56: {  	s0 =	simm.s32 @!p0 $0x1  }
0x57: {  	_ =	swait.ge @!p0 [sflag:s0], s1  }
0x58: {  	s1 =	ssub.s32 @!p0 $0x0, s1;
	[sflag:s0] =	ssyncset.done @!p0 $0x0  }
0x59: {  	[sflag:s0] =	ssyncadd.s32 @!p0 s1  }
0x5a: {  	[bflag:$0x3] =	sbarrier.arrive $0xFFFF  }
0x5b: {  	_ =	shalt  }

// kernel: gather_offload_async_start
scs
__scs_entry_jumppad:
0x0: {  	(pc) =	sbr.rel $0x88, $3  }
0x1: {  	(tag) =	ssettag $0x0;
	lr =	simm.s32 $0x1  }
0x2: {  	[smem:$0x3F91] =	sst lr;
	_ =	strace $0xD0000000  }
0x3: {  	_ = 	snop  }
0x4: {  	_ = 	snop  }
0x5: {  	_ = 	snop  }
0x6: {  	_ = 	snop  }
0x7: {  	_ = 	snop  }
__scs_overlays_trampoline_lowered:
0x8: {  	[smem:$0x3FA0] =	sst s0  }
0x9: {  	[smem:$0x3FA1] =	sst s1  }
0xa: {  	[smem:$0x3FA2] =	sst s2  }
0xb: {  	[smem:$0x3FA3] =	sst s3  }
0xc: {  	[smem:$0x3FA4] =	sst s4  }
0xd: {  	[smem:$0x3FA5] =	sst s5  }
0xe: {  	[smem:$0x3FA6] =	sst s6  }
0xf: {  	[smem:$0x3FA7] =	sst s7  }
0x10: {  	[smem:$0x3FA8] =	sst s8  }
0x11: {  	[smem:$0x3FA9] =	sst s9;
	s0 =	simm.s32 @!p0 $0x0  }
0x12: {  	s1 =	sld [smem:$0x3F8F];
	s0 =	simm.s32 @p0 $0x1  }
0x13: {  	[smem:$0x3FAA] =	sst s0;
	s0 =	simm.s32 @!p1 $0x0  }
0x14: {  	s2 =	sld [smem:$0x3F8E];
	s0 =	simm.s32 @p1 $0x1  }
0x15: {  	[smem:$0x3FAB] =	sst s0;
	s0 =	simm.s32 @!p2 $0x0  }
0x16: {  	s3 =	sld [smem:$0x3FDB];
	s0 =	simm.s32 @p2 $0x1  }
0x17: {  	s4 =	simm.s32 $0x1BF5;
	[smem:$0x3FAD] =	sst s0  }
0x18: {  	s0 =	sld [smem:$0x3F90];
	_ =	swait.ge [sflag:s4], $0x0  }
0x19: {  	s7 =	sld [smem:$0x3F91]  }
0x1a: {  	s8 =	sadd.s32 $0xFFFFE003, lr  }
0x1b: {  	s9 =	sadd.s32 $0xFFFFFEF7, lr;
	s5 =	simm.s32 $0xFFFFFFFF;
	p2 =	slt.u32 s8, $0xFFFFF086  }
0x1c: {  	p1 =	slt.u32 s9, $0xF7A;
	s5 =	simm.s32 @!p2 $0x0  }
0x1d: {  	s5 =	simm.s32 @p1 $0x1;
	p0 =	seq.s32 s7, s2  }
0x1e: {  	s7 =	smul.u32 @!p0 $0xF7A, s2;
	p2 =	seq.s32 @!p0 s5, $0x0  }
0x1f: {  	s9 =	smul.u32 $0xF7A, s1;
	s8 =	simm.s32 @!p0 $0x1BF5;
	p2 =	por !p2, p0  }
0x20: {  	[sflag:s8] =	ssyncset.s32 @!p0 $0xFFFFF086;
	s6 =	sadd.s32 @!p0 s3, s7;
	s7 =	simm.s32 @!p0 $0x108  }
0x21: {  	s3 =	sadd.s32 s3, s9;
	s6 =	sadd.s32 @!p0 $0x88, s6;
	s7 =	simm.s32 @p2 $0x1082  }
0x22: {  	[simem:s7], [sflag:s8] =	dma.local @!p0 [hbm:s6], $0xF7A  }
0x23: {  	s9 =	sor.u32 $0xD0000000, s2;
	s6 =	simm.s32 $0x108;
	_ =	swait.ge @!p0 [sflag:s8], $0x0  }
0x24: {  	s3 =	sadd.s32 $0x88, s3;
	s6 =	simm.s32 @!p1 $0x1082;
	[sflag:s4] =	ssyncset.s32 $0xFFFFF086  }
0x25: {  	[simem:s6], [sflag:s4] =	dma.local [hbm:s3], $0xF7A  }
0x26: {  	[smem:$0x3F91] =	sst s1;
	(tag) =	ssettag s2;
	_ =	strace s9  }
0x27: {  	s1 =	sld [smem:$0x3FA1]  }
0x28: {  	s2 =	sld [smem:$0x3FA2]  }
0x29: {  	s4 =	sld [smem:$0x3FA4]  }
0x2a: {  	p0 =	seq.s32 s5, $0x0;
	s5 =	sld [smem:$0x3FA5]  }
0x2b: {  	s6 =	sld [smem:$0x3FA6]  }
0x2c: {  	s7 =	sld [smem:$0x3FA7]  }
0x2d: {  	s3 =	simm.s32 $0x108;
	s8 =	sld [smem:$0x3FA8]  }
0x2e: {  	s3 =	simm.s32 @!p0 $0x1082;
	s9 =	sld [smem:$0x3FA9]  }
0x2f: {  	lr =	sadd.s32 s0, s3;
	s0 =	sld [smem:$0x3FA0]  }
0x30: {  	s3 =	sld [smem:$0x3FA3]  }
0x31: {  	[smem:$0x3FAC] =	sst s10  }
0x32: {  	s10 =	sld [smem:$0x3FAA];
	_ =	sdelay $0x3  }
0x33: {  	p0 =	seq.s32 s10, $0x1;
	s10 =	sld [smem:$0x3FAC];
	_ =	sdelay $0x3  }
0x34: {  	[smem:$0x3FAC] =	sst s10  }
0x35: {  	s10 =	sld [smem:$0x3FAB];
	_ =	sdelay $0x3  }
0x36: {  	p1 =	seq.s32 s10, $0x1;
	s10 =	sld [smem:$0x3FAC];
	_ =	sdelay $0x3  }
0x37: {  	[smem:$0x3FAC] =	sst s10  }
0x38: {  	s10 =	sld [smem:$0x3FAD]  }
0x39: {  	_ = 	snop;
	(pc) =	sbr.ind lr, $3  }
0x3a: {  	_ = 	snop  }
0x3b: {  	_ = 	snop  }
0x3c: {  	p2 =	seq.s32 s10, $0x1;
	s10 =	sld [smem:$0x3FAC]  }
0x3d: {  	_ =	shalt  }
0x3e: {  	_ =	shalt  }
0x3f: {  	_ =	shalt  }
0x40: {  	_ =	shalt  }
0x41: {  	_ =	shalt  }
0x42: {  	_ =	shalt  }
0x43: {  	_ =	shalt  }
0x44: {  	_ =	shalt  }
0x45: {  	_ =	shalt  }
0x46: {  	_ =	shalt  }
0x47: {  	_ =	shalt  }
0x48: {  	_ =	shalt  }
0x49: {  	_ =	shalt  }
0x4a: {  	_ =	shalt  }
0x4b: {  	_ =	shalt  }
0x4c: {  	_ =	shalt  }
0x4d: {  	_ =	shalt  }
0x4e: {  	_ =	shalt  }
0x4f: {  	_ =	shalt  }
0x50: {  	_ =	shalt  }
0x51: {  	_ =	shalt  }
0x52: {  	_ =	shalt  }
0x53: {  	_ =	shalt  }
0x54: {  	_ =	shalt  }
0x55: {  	_ =	shalt  }
0x56: {  	_ =	shalt  }
0x57: {  	_ =	shalt  }
0x58: {  	_ =	shalt  }
0x59: {  	_ =	shalt  }
0x5a: {  	_ =	shalt  }
0x5b: {  	_ =	shalt  }
0x5c: {  	_ =	shalt  }
0x5d: {  	_ =	shalt  }
0x5e: {  	_ =	shalt  }
0x5f: {  	_ =	shalt  }
0x60: {  	_ =	shalt  }
0x61: {  	_ =	shalt  }
0x62: {  	_ =	shalt  }
0x63: {  	_ =	shalt  }
0x64: {  	_ =	shalt  }
0x65: {  	_ =	shalt  }
0x66: {  	_ =	shalt  }
0x67: {  	_ =	shalt  }
0x68: {  	_ =	shalt  }
0x69: {  	_ =	shalt  }
0x6a: {  	_ =	shalt  }
0x6b: {  	_ =	shalt  }
0x6c: {  	_ =	shalt  }
0x6d: {  	_ =	shalt  }
0x6e: {  	_ =	shalt  }
0x6f: {  	_ =	shalt  }
0x70: {  	_ =	shalt  }
0x71: {  	_ =	shalt  }
0x72: {  	_ =	shalt  }
0x73: {  	_ =	shalt  }
0x74: {  	_ =	shalt  }
0x75: {  	_ =	shalt  }
0x76: {  	_ =	shalt  }
0x77: {  	_ =	shalt  }
0x78: {  	_ =	shalt  }
0x79: {  	_ =	shalt  }
0x7a: {  	_ =	shalt  }
0x7b: {  	_ =	shalt  }
0x7c: {  	_ =	shalt  }
0x7d: {  	_ =	shalt  }
0x7e: {  	_ =	shalt  }
0x7f: {  	_ =	shalt  }
0x80: {  	_ =	shalt  }
0x81: {  	_ =	shalt  }
0x82: {  	_ =	shalt  }
0x83: {  	_ =	shalt  }
0x84: {  	_ =	shalt  }
0x85: {  	_ =	shalt  }
0x86: {  	_ =	shalt  }
0x87: {  	_ =	shalt  }
.Lfunc_end0:
.L_simem_size_0:
called_computation_lowered:
.L_overlay_start_0:
0x88: {  	s2 =	sld [smem:$0x3FD9]  }
0x89: {  	s3 =	sld [smem:$0x3FFE];
	_ =	sdelay $0x1  }
0x8a: {  	s1 =	srdreg.scid  }
0x8b: {  	s0 =	sand.u32 $0x1, s1  }
0x8c: {  	s17 =	sshll.u32 s0, $0xA;
	s2 =	sadd.s32 s3, s2  }
0x8d: {  	s2 =	sadd.s32 s2, s17  }
0x8e: {  	[smem:$0x3FB8] =	sst s2  }
0x8f: {  	_ = 	snop  }
0x90: {  	(tm) =	ssettm $0x1  }
0x91: {  	s18 =	sld [smem:$0x3FFB];
	_ =	sdelay $0x3  }
0x92: {  	_ =	strace s18  }
0x93: {  	s2 =	sld [smem:$0x3FFC];
	_ =	sdelay $0x3  }
0x94: {  	_ =	strace s2  }
0x95: {  	s2 =	sld [smem:$0x3FFD];
	_ =	sdelay $0x3  }
0x96: {  	_ =	strace s2  }
0x97: {  	_ =	strace $0x8FFFFFFF  }
0x98: {  	s19 =	sld [smem:$0x3FDB];
	_ =	sdelay $0x1  }
0x99: {  	s20 =	simm.s32 $_scs_section_size  }
0x9a: {  	s4 =	simm.s32 $_size__tile_overlayer_lowered;
	s5 =	simm.s32 $_tile_overlayer_lowered  }
0x9b: {  	s6 =	simm.s32 $0x1BFF;
	s21 =	sshll.u32 s5, $0x1;
	s3 =	sadd.s32 s20, s19  }
0x9c: {  	s22 =	simm.s32 $0x0;
	s4 =	sshll.u32 s4, $0x1;
	s5 =	sadd.s32 s21, s3  }
0x9d: {  	[timem:s22], [sflag:s6] =	dma.local [hbm:s5], s4  }
0x9e: {  	_ =	swait.ge [sflag:s6], s4  }
0x9f: {  	s4 =	ssub.s32 $0x0, s4;
	[sflag:s6] =	ssyncset.done $0x0  }
0xa0: {  	[sflag:s6] =	ssyncadd.s32 s4;
	_ =	sdelay $0x1  }
0xa1: {  	s23 =	simm.s32 $0x1B8B  }
0xa2: {  	_ =	swait.ge [sflag:s23], $0x1  }
0xa3: {  	[sflag:s23] =	ssyncset.done $0x0  }
0xa4: {  	[sflag:s23] =	ssyncadd.s32 $0xFFFFFFFF  }
0xa5: {  	s4 =	sld [smem:$0x0]  }
0xa6: {  	s5 =	sand.u32 $0xFFFFFFFE, s1  }
0xa7: {  	p0 =	sne.s32 s1, s5  }
0xa8: {  	s5 =	sshll.u32 @p0 s5, $0xE  }
0xa9: {  	s5 =	sadd.s32 @p0 $0x11B8D, s5;
	s6 =	sshll.u32 @p0 s4, $0x11  }
0xaa: {  	s5 =	sor.u32 @p0 s6, s5  }
0xab: {  	[sflag:s5] =	ssyncadd.remote.s32 @p0 $0x1;
	_ =	sdelay $0x1  }
0xac: {  	s5 =	simm.s32 @p0 $0x1B8D  }
0xad: {  	_ =	swait.eq @p0 [sflag:s5], $0x1  }
0xae: {  	[sflag:s5] =	ssyncadd.s32 @p0 $0xFFFFFFFF  }
0xaf: {  	s6 =	sshll.u32 @!p0 s1, $0xE  }
0xb0: {  	s6 =	sor.u32 @!p0 $0x4000, s6;
	s5 =	simm.s32 @!p0 $0x1B8D  }
0xb1: {  	s4 =	sshll.u32 @!p0 s4, $0x11;
	s6 =	sadd.s32 @!p0 $0x11B8D, s6;
	_ =	swait.eq @!p0 [sflag:s5], $0x1  }
0xb2: {  	s4 =	sor.u32 @!p0 s4, s6;
	[sflag:s5] =	ssyncadd.s32 @!p0 $0xFFFFFFFF  }
0xb3: {  	s25 =	simm.s32 $0x1B8E;
	s24 =	sld [smem:$0x3FFE];
	[sflag:s4] =	ssyncadd.remote.s32 @!p0 $0x1  }
0xb4: {  	s26 =	simm.s32 $execute0_lowered;
	[smem:$0x3FD2] =	sst s25  }
0xb5: {  	s5 =	sshll.u32 s26, $0x1;
	_ =	strace $0x80000049;
	[dreg:$0x1] =	wrdreg $0xFFFFFFFF  }
0xb6: {  	s28 =	simm.s32 $_size_execute0_lowered;
	s3 =	sadd.s32 s3, s5;
	[dreg:$0x0] =	wrdreg $0x0  }
0xb7: {  	s5 =	sshll.u32 s28, $0x1;
	[dreg:$0x2] =	wrdreg s3  }
0xb8: {  	[dreg:$0x3] =	wrdreg s5  }
0xb9: {  	[dreg:$0x4] =	wrdreg $0xC0  }
0xba: {  	_ =	task [dreg:s22], $0x5FFFF  }
0xbb: {  	[dreg:$0x1] =	wrdreg $0xFFFFFFFF  }
0xbc: {  	[dreg:$0x0] =	wrdreg $0x60  }
0xbd: {  	[dreg:$0x2] =	wrdreg s24  }
0xbe: {  	[dreg:$0x3] =	wrdreg $0x9  }
0xbf: {  	_ =	task.clear_ibuf [dreg:s22], $0x4FFFF;
	_ =	strace $0x90000049  }
0xc0: {  	s29 =	simm.s32 $0x9;
	_ =	strace $0x8000004B  }
0xc1: {  	_ =	swait.ge [sflag:s29], $0x1  }
0xc2: {  	[sflag:s29] =	ssyncadd.s32 $0xFFFFFFFF  }
0xc3: {  	_ =	strace $0x9000004B  }
0xc4: {  	_ =	sfence  }
0xc5: {  	s30 =	sld [smem:$0x0];
	_ =	sdelay $0x2  }
0xc6: {  	s31 =	sshll.u32 s1, $0xD;
	s1 =	sshrl.u32 s1, $0x2  }
0xc7: {  	s4 =	sand.u32 $0x4000, s31;
	s1 =	sadd.s32 s1, s30  }
0xc8: {  	s0 =	sor.u32 s4, s0;
	s1 =	sshll.u32 s1, $0x11  }
0xc9: {  	s0 =	sor.u32 s1, s0  }
0xca: {  	s0 =	sadd.s32 $0x8F2B, s0  }
0xcb: {  	[sflag:s0] =	ssyncadd.remote.s32 $0x1  }
0xcc: {  	_ =	sfence.sel $0xFFFF  }
0xcd: {  	[dreg:$0x0] =	wrdreg $0xFFFFFFFF;
	(pc) =	sbr.abs _section_cstart, $3  }
0xce: {  	[dreg:$0x1] =	wrdreg $0xFFFFFFFF  }
0xcf: {  	_ =	task.clear_ibuf [dreg:s22], $0x2FFFF;
	_ =	strace $0x9FFFFFFF  }
0xd0: {  	(tm) =	ssettm $0x7FFFFFFF  }
0xd1: {  	_ =	shalt  }
tec
execute0_lowered:
.L_overlay_start_1:
0x0: {  	(tag) =	ssettag $0x1  }
0x1: {  	s7 =	rddreg [dreg:$0x0]  }
0x2: {  	s0 =	rddreg [dreg:$0x1];
	_ =	strace $0x8000004A  }
0x3: {  	s1 =	srdreg.scid;
	s4 =	simm.s32 $0x1;
	s9 =	simm.s32 $0x3  }
0x4: {  	s11 =	simm.s32 $0x0;
	p0 =	por $0x0, $0x0;
	s5 =	sshll.u32 s1, $0x4  }
.Ltmp0:
0x5: {  	s1 =	stileid.u32;
	s5 =	sand.u32 $0x10, s5;
	(pc) =	sbr.rel .LBB2_1-.Ltmp0, $4  }
0x6: {  	s2 =	sadd.s32 $0xE6800, s7;
	s3 =	sadd.s32 $0x46600, s7;
	s6 =	sor.u32 s1, s5  }
0x7: {  	[sflag:s4] =	ssyncpa.u1 $0x0;
	s5 =	simm.s32 $0x2;
	s6 =	sshll.u32 s6, $0x6  }
0x8: {  	s7 =	sadd.s32 $0x86800, s7;
	[sflag:s5] =	ssyncpa.u1 $0x0;
	s8 =	sadd.s32 $0x40, s6  }
0x9: {  	vm0 =	vmmov $0xff;
	vm1 =	vcmask $0x3F20;
	[sflag:s9] =	ssyncpa.u1 $0x0;
	s10 =	smov.u32 s6;
	s9 =	simm.s32 $0x0  }
.LBB2_9:
0xa: {  	p1 =	slt.u32 s9, $0x2;
	s11 =	sadd.s32 $0x20, s10  }
0xb: {  	s13 =	smov.u32 s6;
	s9 =	sadd.s32 $0x1, s9;
	p2 =	slt.s32 s11, s8  }
0xc: {  	s13 =	smov.u32 @p2 s11;
	p2 =	sne.s32 s9, $0x4  }
.Ltmp1:
0xd: {  	_ = 	snop;
	(pc) =	sbr.rel @!p2 .LBB2_10-.Ltmp1, $4  }
0xe: {  	s12 =	simm.s32 @!p1 $0x3  }
0xf: {  	_ =	swait.ge @!p1 [sflag:s12], $0x8000  }
0x10: {  	p0 =	por !p0, !p0;
	[sflag:s12] =	ssyncset.done @!p1 $0x0  }
0x11: {  	s11 =	smov.u32 s10;
	s10 =	smov.u32 s13;
	[sflag:s12] =	ssyncadd.s32 @!p1 $0xFFFF8000  }
.LBB2_1:
0x12: {  	p1 =	sgt.u32 s9, $0x1  }
0x13: {  	s12 =	sshll.u32 @!p1 s9, $0x5;
	s13 =	sshrl.u32 @!p1 s10, $0x3  }
0x14: {  	s14 =	sand.u32 @!p1 $0x7, s10;
	s12 =	sxor.u32 @!p1 $0x20, s12;
	s13 =	sadd.s32 @!p1 s3, s13  }
0x15: {  	[tilespmem:s12], [sflag:$0x2] =	stream.linear.gather @!p1 [hbm4b:s13+s14], $0x20, $0x38;
	[tilespmem:$0x10040] =	vst v63  }
0x16: {  	p1 =	seq.s32 s9, $0x0  }
0x17: {  	p2 =	seq.s32 @!p1 s9, $0x3  }
0x18: {  	p1 =	por p1, p2  }
.Ltmp2:
0x19: {  	_ = 	snop;
	(pc) =	sbr.rel @p1 .LBB2_9-.Ltmp2, $1  }
0x1a: {  	_ =	sdelay $0x3  }
0x1b: {  	s12 =	simm.s32 $0x1  }
0x1c: {  	_ =	swait.ge [sflag:s5], $0x20;
	s13 =	sand.u32 $0x1, s9;
	s12 =	simm.s32 @!p0 $0x0  }
0x1d: {  	s15 =	simm.s32 $0x0;
	p2 =	por $0x1, $0x1;
	s12 =	sshll.u32 s12, $0x11  }
0x1e: {  	[sflag:s5] =	ssyncset.done $0x0;
	s13 =	sshll.u32 s13, $0x5;
	s14 =	sshrl.u32 s12, $0x2  }
0x1f: {  	[sflag:s5] =	ssyncadd.s32 $0xFFFFFFE0;
	s12 =	sor.u32 $0x40, s14;
	s14 =	sadd.s32 $0x40, s14  }
.LBB2_3:
0x20: {  	s16 =	sshll.u32 s15, $0x4  }
0x21: {  	s16 =	sand.u32 $0x3FFFFFF0, s16  }
0x22: {  	s16 =	sadd.s32 s16, s13  }
0x23: {  	v0 =	vld.msk [tilespmem:s16+$0x0 ss:$0x1], $0xffff;
	_ =	sdelay $0x4  }
0x24: {  	vm2 =	vgt.s32 v0, $0x0  }
0x25: {  	v0 =	vnsel vm2, $0x0, v0  }
0x26: {  	v0 =	vmin.u32 v0, $0x13FF  }
0x27: {  	v1 =	vshll.u32 v0, $0x7;
	v0 =	vshll.u32 v0, $0x4  }
0x28: {  	v1 =	vand.u32 $0xFFC00, v1;
	v0 =	vand.u32 $0x70, v0  }
0x29: {  	v0 =	vor.u32 v0, v1  }
0x2a: {  	s31 =	sshll.u32 s15, $0x10  }
0x2b: {  	s15 =	sshra.s32 s31, $0x2  }
0x2c: {  	s15 =	sadd.s32 s15, s14  }
0x2d: {  	s17 =	sadd.s32 $0x0, s15  }
0x2e: {  	[tilespmem:s17], [sflag:$0x1] =	stream.indirect_vreg.gather [hbm:s2], $0x80, v0, vm0, $0x38;
	[tilespmem:$0x10040] =	vst v63  }
0x2f: {  	p1 =	por p2, p2;
	s16 =	simm.s32 $0x1000;
	v1 =	vadd.s32 $0x80, v0;
	s17 =	sadd.s32 $0x2000, s17  }
.LBB2_4:
0x30: {  	[tilespmem:s17], [sflag:$0x1] =	stream.indirect_vreg.gather [hbm:s2], $0x80, v0, vm1, $0x38;
	[tilespmem:$0x10040] =	vst v63  }
0x31: {  	v0 =	vmov v1;
	s17 =	smov.u32 s16;
	p2 =	sne.s32 s16, $0x7000  }
.Ltmp3:
0x32: {  	s16 =	sadd.s32 $0x1000, s16;
	(pc) =	sbr.rel @p2 .LBB2_4-.Ltmp3, $4  }
0x33: {  	s17 =	sshra.s32 s17, $0x2  }
0x34: {  	s17 =	sadd.s32 s17, s15  }
0x35: {  	[tilespmem:s17], [sflag:$0x1] =	stream.indirect_vreg.gather [hbm:s2], $0x80, v1, vm0, $0x38;
	[tilespmem:$0x10040] =	vst v63  }
0x36: {  	s17 =	sadd.s32 $0x2000, s17;
	v1 =	vadd.s32 $0x80, v1  }
0x37: {  	_ = 	snop  }
.Ltmp4:
0x38: {  	_ = 	snop;
	(pc) =	sbr.rel @p1 .LBB2_3-.Ltmp4, $3  }
0x39: {  	_ =	sdelay $0x1  }
0x3a: {  	[tilespmem:s17], [sflag:$0x1] =	stream.indirect_vreg.gather [hbm:s2], $0x80, v0, vm1, $0x38;
	[tilespmem:$0x10040] =	vst v63  }
0x3b: {  	s15 =	simm.s32 $0x1;
	p2 =	por $0x0, $0x0  }
0x3c: {  	s13 =	sshll.u32 s11, $0x7  }
0x3d: {  	s31 =	sshll.u32 s11, $0x4;
	s13 =	sand.u32 $0xFFFFFC00, s13  }
0x3e: {  	_ =	swait.ge [sflag:s4], $0x8000;
	s11 =	sand.u32 $0x70, s31;
	s13 =	sadd.s32 s13, s7  }
0x3f: {  	s14 =	sadd.s32 $0x2000, s12;
	[sflag:s4] =	ssyncset.done $0x0;
	s11 =	sadd.s32 s11, s13  }
0x40: {  	[sflag:s4] =	ssyncadd.s32 $0xFFFF8000;
	s13 =	simm.s32 $0x400;
	s15 =	sadd.s32 $0x0, s11  }
.LBB2_7:
0x41: {  	[hbm:s15] =	stream.linear.scatter [tilespmem:s12], [sflag:$0x3], $0x2000, $0x38;
	[tilespmem:$0x10040] =	vst v63  }
0x42: {  	s15 =	smov.u32 s13;
	s12 =	smov.u32 s14;
	p1 =	sne.s32 s13, $0xC00  }
.Ltmp5:
0x43: {  	s13 =	sadd.s32 $0x400, s13;
	(pc) =	sbr.rel @p1 .LBB2_7-.Ltmp5, $2  }
0x44: {  	_ =	sdelay $0x2  }
0x45: {  	s14 =	sadd.s32 $0x2000, s14;
	s15 =	sadd.s32 s15, s11  }
.Ltmp6:
0x46: {  	(pc) =	sbr.rel .LBB2_9-.Ltmp6, $2  }
0x47: {  	_ =	sdelay $0x2  }
0x48: {  	[hbm:s15] =	stream.linear.scatter [tilespmem:s12], [sflag:$0x3], $0x2000, $0x38;
	[tilespmem:$0x10040] =	vst v63  }
.LBB2_10:
0x49: {  	_ =	sfence.sel $0x180000  }
0x4a: {  	s2 =	simm.s32 $0x2;
	[bflag:$0x0] =	sbarrier.arrive $0xFFFF  }
0x4b: {  	s30 =	simm.s32 $0x3;
	[sflag:s2] =	ssyncpa.u1 $0x1  }
0x4c: {  	s31 =	simm.s32 $0x1;
	[sflag:s30] =	ssyncpa.u1 $0x1  }
0x4d: {  	[sflag:s31] =	ssyncpa.u1 $0x1  }
0x4e: {  	p0 =	sne.s32 s1, $0x0;
	_ =	strace $0x9000004A  }
0x4f: {  	s0 =	sadd.s32 @!p0 $0x100000, s0;
	[bflag:$0x2] =	sbarrier.arrive $0xFFFF  }
0x50: {  	[sflag:s0] =	ssyncadd.tile.s32 @!p0 $0x1;
	_ =	shalt  }
.Lfunc_end2:
_tile_overlayer_lowered:
.L_overlay_start_2:
0x51: {  	(tag) =	ssettag $0x2  }
0x52: {  	s0 =	rddreg [dreg:$0x0];
	s2 =	stileid.u32  }
0x53: {  	s1 =	rddreg [dreg:$0x1];
	p0 =	sne.s32 s2, $0x0  }
0x54: {  	s3 =	rddreg [dreg:$0x2];
	[bflag:$0x3] =	sbarrier.arrive $0xFFFF;
	s2 =	simm.s32 @!p0 $0x1C01  }
0x55: {  	[timem:s3], [sflag:s2] =	dma.local @!p0 [hbm:s0], s1  }
0x56: {  	s0 =	simm.s32 @!p0 $0x1  }
0x57: {  	_ =	swait.ge @!p0 [sflag:s0], s1  }
0x58: {  	s1 =	ssub.s32 @!p0 $0x0, s1;
	[sflag:s0] =	ssyncset.done @!p0 $0x0  }
0x59: {  	[sflag:s0] =	ssyncadd.s32 @!p0 s1  }
0x5a: {  	[bflag:$0x3] =	sbarrier.arrive $0xFFFF  }
0x5b: {  	_ =	shalt  }

</sc_bundles>
